<compile_context>
chip_gen: v7x
topology: tpu7x:2x2x1
jax: 0.10.2.dev20260603
libtpu: 0.0.44.dev20260713+nightly
codegen_flags: <defaults>
</compile_context>

<pallas_src>
import functools

import jax
import jax.numpy as jnp
from jax import lax
from jax.experimental import pallas as pl
from jax.experimental.pallas import tpu as pltpu
from jax.experimental.pallas import tpu_sc as plsc

N = 10000
C = 256
T = 4
E = 160000
CW = 128
NCH = (T * C) // CW
EB = 125
NTILES = 16
NCORES = 2
NPAD = 10240
ROWS_PER_TILE = NPAD // NTILES
NB = 1000
EPS = 1e-12

_sc_mesh = functools.partial(
    plsc.VectorSubcoreMesh, core_axis_name="c", subcore_axis_name="s")


def _deg_body(dst_hbm, ones_hbm, zeros_hbm, out_hbm, ones_v, idx_v, acc_sh, sem):
    cidx = lax.axis_index("c")
    sidx = lax.axis_index("s")
    pltpu.sync_copy(ones_hbm, ones_v)
    pltpu.sync_copy(dst_hbm.at[cidx, sidx], idx_v)
    pltpu.sync_copy(zeros_hbm, acc_sh.at[pl.ds(sidx * ROWS_PER_TILE, ROWS_PER_TILE)])
    plsc.subcore_barrier()

    def body(j, carry):
        pltpu.sync_copy(ones_v, acc_sh.at[idx_v.at[j]], add=True)
        return carry

    lax.fori_loop(0, E // (NCORES * NTILES * EB), body, 0)
    plsc.subcore_barrier()
    pltpu.sync_copy(acc_sh.at[pl.ds(sidx * ROWS_PER_TILE, ROWS_PER_TILE)],
                    out_hbm.at[cidx, pl.ds(sidx * ROWS_PER_TILE, ROWS_PER_TILE)])


def _make_deg_kernel():
    return pl.kernel(
        _deg_body,
        mesh=_sc_mesh(),
        out_type=jax.ShapeDtypeStruct((NCORES, NPAD, CW), jnp.float32),
        scratch_types=[
            pltpu.VMEM((EB, CW), jnp.float32),
            pltpu.VMEM((E // (NCORES * NTILES * EB), EB), jnp.int32),
            pltpu.VMEM_SHARED((NPAD, CW), jnp.float32),
            pltpu.SemaphoreType.DMA,
        ],
    )


def _mm_scale_body(s_ref, part_ref, w_ref, q8_ref, deg_ref):
    deg = part_ref[0, :, 0:1] + part_ref[1, :, 0:1] + 1.0
    deg_ref[...] = deg
    dinv = lax.rsqrt(jnp.maximum(deg, EPS))
    w = w_ref[...]
    for t in range(T):
        xwt = lax.dot_general(s_ref[t], w, (((1,), (0,)), ((), ())),
                              preferred_element_type=jnp.float32)
        qt = xwt * dinv
        q8_ref[2 * t] = qt[:, :CW]
        q8_ref[2 * t + 1] = qt[:, CW:]


def _mm_scale_call(s_seq, part, W):
    return pl.pallas_call(
        _mm_scale_body,
        grid=(N // NB,),
        in_specs=[
            pl.BlockSpec((T, NB, C), lambda nb: (0, nb, 0)),
            pl.BlockSpec((NCORES, NB, CW), lambda nb: (0, nb, 0)),
            pl.BlockSpec((C, C), lambda nb: (0, 0)),
        ],
        out_specs=[
            pl.BlockSpec((NCH, NB, CW), lambda nb: (0, nb, 0)),
            pl.BlockSpec((NB, 1), lambda nb: (nb, 0)),
        ],
        out_shape=[
            jax.ShapeDtypeStruct((NCH, N, CW), jnp.float32),
            jax.ShapeDtypeStruct((N, 1), jnp.float32),
        ],
    )(s_seq, part, W)


def _agg_body(q_hbm, srcoff_hbm, dst_hbm, zeros_hbm, out_hbm,
              sidx_v, dst_v, rows_v, acc_sh, sem):
    cidx = lax.axis_index("c")
    sidx = lax.axis_index("s")
    nbatch = E // (NTILES * EB)
    pltpu.sync_copy(dst_hbm.at[sidx], dst_v)
    for cc in range(NCH // NCORES):
        chunk = cidx * (NCH // NCORES) + cc
        pltpu.sync_copy(srcoff_hbm.at[chunk, sidx], sidx_v)
        pltpu.sync_copy(
            zeros_hbm, acc_sh.at[pl.ds(sidx * ROWS_PER_TILE, ROWS_PER_TILE)])
        plsc.subcore_barrier()

        def body(j, carry):
            pltpu.async_copy(q_hbm.at[sidx_v.at[j]], rows_v, sem).wait()
            pltpu.sync_copy(rows_v, acc_sh.at[dst_v.at[j]], add=True)
            return carry

        lax.fori_loop(0, nbatch, body, 0)
        plsc.subcore_barrier()
        pltpu.sync_copy(
            acc_sh.at[pl.ds(sidx * ROWS_PER_TILE, ROWS_PER_TILE)],
            out_hbm.at[chunk, pl.ds(sidx * ROWS_PER_TILE, ROWS_PER_TILE)])


def _make_agg_kernel():
    nbatch = E // (NTILES * EB)
    return pl.kernel(
        _agg_body,
        mesh=_sc_mesh(),
        out_type=jax.ShapeDtypeStruct((NCH, NPAD, CW), jnp.float32),
        scratch_types=[
            pltpu.VMEM((nbatch, EB), jnp.int32),
            pltpu.VMEM((nbatch, EB), jnp.int32),
            pltpu.VMEM((EB, CW), jnp.float32),
            pltpu.VMEM_SHARED((NPAD, CW), jnp.float32),
            pltpu.SemaphoreType.DMA,
        ],
    )


def _final_body(agg_ref, q_ref, deg_ref, z_ref, o_ref, znew_ref):
    dinv = lax.rsqrt(jnp.maximum(deg_ref[...], EPS))
    xs = []
    for t in range(T):
        aggt = jnp.concatenate([agg_ref[2 * t], agg_ref[2 * t + 1]], axis=1)
        qt = jnp.concatenate([q_ref[2 * t], q_ref[2 * t + 1]], axis=1)
        xs.append((aggt + qt) * dinv)
    y = (xs[0] + xs[1] + xs[2] + xs[3]) * (0.1 / T)
    z = z_ref[...]
    for t in range(T):
        u = z + (xs[t] + y - z) * 0.5
        o = jnp.where(u > 1.0, 1.0, 0.0)
        z = u - o
        o_ref[t] = o
    znew_ref[...] = z


def _final_call(agg, q8, deg, z_seq):
    return pl.pallas_call(
        _final_body,
        grid=(N // NB,),
        in_specs=[
            pl.BlockSpec((NCH, NB, CW), lambda nb: (0, nb, 0)),
            pl.BlockSpec((NCH, NB, CW), lambda nb: (0, nb, 0)),
            pl.BlockSpec((NB, 1), lambda nb: (nb, 0)),
            pl.BlockSpec((NB, C), lambda nb: (nb, 0)),
        ],
        out_specs=[
            pl.BlockSpec((T, NB, C), lambda nb: (0, nb, 0)),
            pl.BlockSpec((NB, C), lambda nb: (nb, 0)),
        ],
        out_shape=[
            jax.ShapeDtypeStruct((T, N, C), jnp.float32),
            jax.ShapeDtypeStruct((N, C), jnp.float32),
        ],
    )(agg, q8, deg, z_seq)


def kernel(s_seq, z_seq, edge_index, W):
    ei = edge_index.astype(jnp.int32)
    src, dst = ei[0], ei[1]
    tiles_deg = NCORES * NTILES
    dst_deg = dst.reshape(NCORES, NTILES, E // (tiles_deg * EB), EB)
    dst_agg = dst.reshape(NTILES, E // (NTILES * EB), EB)
    srcoff = (src[None, :]
              + (jnp.arange(NCH, dtype=jnp.int32) * N)[:, None]
              ).reshape(NCH, NTILES, E // (NTILES * EB), EB)

    ones_c = jnp.ones((EB, CW), jnp.float32)
    zeros_row = jnp.zeros((ROWS_PER_TILE, CW), jnp.float32)

    part = _make_deg_kernel()(dst_deg, ones_c, zeros_row)
    q8, deg = _mm_scale_call(s_seq, part, W)
    q_flat = q8.reshape(NCH * N, CW)
    agg = _make_agg_kernel()(q_flat, srcoff, dst_agg, zeros_row)
    o_seq, z_new = _final_call(agg, q8, deg, z_seq)
    return (o_seq, z_new)

# --- scband reference (transcript-rebuilt; emitter-appended) ---
"""Pipeline reference for scband-riemannian-sgnnlayer-23416161697929 (READ-ONLY COPY).

The authoritative reference and input builder live on the scoring server;
editing this copy changes nothing except your own understanding.
"""

import jax, jax.numpy as jnp
import numpy as np

N_NODES = 10000
CHANNELS = 256
T_STEPS = 4
N_EDGES = 160000
V_THRESHOLD = 1.0
DELTA = 0.05
TAU = 2.0
STEP_SIZE = 0.1


def spike(u):
    # Heaviside forward with sigmoid surrogate gradient (width DELTA)
    surr = jax.nn.sigmoid(u / DELTA)
    hard = jnp.heaviside(u, jnp.zeros_like(u))
    return surr + jax.lax.stop_gradient(hard - surr)


def gcn_conv(x_seq, edge_index, W):
    # GCNConv without bias: D^{-1/2} (A + I) D^{-1/2} X W, applied per time step
    src = edge_index[0]
    dst = edge_index[1]
    loop = jnp.arange(N_NODES, dtype=edge_index.dtype)
    src = jnp.concatenate([src, loop])
    dst = jnp.concatenate([dst, loop])
    deg = jnp.zeros((N_NODES,), dtype=x_seq.dtype).at[dst].add(1.0)
    dinv = 1.0 / jnp.sqrt(jnp.maximum(deg, 1e-12))
    norm = dinv[src] * dinv[dst]
    xw = jnp.einsum('tnd,de->tne', x_seq, W)
    msg = jnp.take(xw, src, axis=1) * norm[None, :, None]
    out = jax.vmap(lambda m: jax.ops.segment_sum(m, dst, num_segments=N_NODES))(msg)
    return out


def riemannian_neuron(x_seq, y, z):
    # LIF/IF-style Riemannian spiking neuron (Euclidean manifold => tangent-space update)
    def step(z_carry, x_t):
        u = z_carry + (x_t + y - z_carry) / TAU
        o = spike(u - V_THRESHOLD)
        z_new = u - o * V_THRESHOLD  # soft reset
        return z_new, o
    z_final, o_seq = jax.lax.scan(step, z, x_seq)
    return o_seq, z_final


def setup_inputs(seed: int = 0) -> dict:
    key = jax.random.key(seed)
    k1, k2, k3, k4 = jax.random.split(key, 4)
    s_seq = jax.random.normal(k1, (T_STEPS, N_NODES, CHANNELS), dtype=jnp.float32)
    z_seq = jax.random.normal(k2, (N_NODES, CHANNELS), dtype=jnp.float32)
    edge_index = jax.random.randint(k3, (2, N_EDGES), 0, N_NODES, dtype=jnp.int64)
    W = jax.random.normal(k4, (CHANNELS, CHANNELS), dtype=jnp.float32) * (1.0 / np.sqrt(CHANNELS))
    return {"s_seq": s_seq, "z_seq": z_seq, "edge_index": edge_index, "W": W}


def reference(s_seq, z_seq, edge_index, W):
    # drop_edge and dropout are identity in eval mode / p=0.0
    x_seq = gcn_conv(s_seq, edge_index, W)
    y_seq = x_seq.mean(0) * STEP_SIZE
    o_seq, z_new = riemannian_neuron(x_seq, y_seq, z_seq)
    return (o_seq, z_new)

if __name__ == "__main__":
    import jax
    _d = setup_inputs()
    print(jax.jit(kernel)(*tuple(_d.values())))

</pallas_src>

<mosaic_0001>
#map = affine_map<(d0, d1) -> (0, 0)>
#map1 = affine_map<(d0, d1) -> (0, 0, 0, 0)>
#map2 = affine_map<(d0, d1) -> (0, 0, 0)>
module attributes {stable_mosaic.version = 14 : i64} {
  func.func @_agg_body(%arg0: i32, %arg1: i32, %arg2: memref<80000x128xf32, #tpu.memory_space<hbm>>, %arg3: memref<8x16x80x125xi32, #tpu.memory_space<hbm>>, %arg4: memref<16x80x125xi32, #tpu.memory_space<hbm>>, %arg5: memref<640x128xf32, #tpu.memory_space<hbm>>, %arg6: memref<8x10240x128xf32, #tpu.memory_space<hbm>>, %arg7: memref<80x125xi32, #tpu.memory_space<vmem>>, %arg8: memref<80x125xi32, #tpu.memory_space<vmem>>, %arg9: memref<125x128xf32, #tpu.memory_space<vmem>>, %arg10: memref<10240x128xf32, #tpu.memory_space<vmem_shared>>, %arg11: memref<!tpu.dma_semaphore, #tpu.memory_space<semaphore_mem>>) attributes {dimension_semantics = [#tpu.dimension_semantics<core_parallel>, #tpu.dimension_semantics<subcore_parallel>], iteration_bounds = array<i64: 2, 16>, scalar_prefetch = 0 : i64, scratch_operands = 5 : i64, tpu.core_type = #tpu.core_type<sc_vector_subcore>, window_params = [{transform_indices = #map}, {transform_indices = #map1}, {transform_indices = #map2}, {transform_indices = #map}, {transform_indices = #map2}]} {
    "tpu.region"() ({
      %run_scoped3A = tpu.sem_alloc : memref<!tpu.dma_semaphore, #tpu.memory_space<semaphore_mem>>
      %dma_start3A = arith.constant 0 : i32
      %dma_start3A_68 = arith.constant 0 : i32
      %dma_start3A_69 = tpu.memref_slice %arg4[%arg1, %dma_start3A, %dma_start3A_68] : memref<16x80x125xi32, #tpu.memory_space<hbm>> -> memref<1x80x125xi32, #tpu.memory_space<hbm>>
      %dma_start3A_70 = tpu.memref_squeeze %dma_start3A_69 : memref<1x80x125xi32, #tpu.memory_space<hbm>> -> memref<80x125xi32, #tpu.memory_space<hbm>>
      %dma_start3A_71 = arith.constant 0 : i32
      %dma_start3A_72 = arith.constant 0 : i32
      %dma_start3A_73 = tpu.memref_slice %arg4[%arg1, %dma_start3A_71, %dma_start3A_72] : memref<16x80x125xi32, #tpu.memory_space<hbm>> -> memref<1x80x125xi32, #tpu.memory_space<hbm>>
      %dma_start3A_74 = tpu.memref_squeeze %dma_start3A_73 : memref<1x80x125xi32, #tpu.memory_space<hbm>> -> memref<80x125xi32, #tpu.memory_space<hbm>>
      tpu.enqueue_dma source(%dma_start3A_74 : memref<80x125xi32, #tpu.memory_space<hbm>>) target(%arg8 : memref<80x125xi32, #tpu.memory_space<vmem>>) target_semaphore(%run_scoped3A : memref<!tpu.dma_semaphore, #tpu.memory_space<semaphore_mem>>)
      %dma_wait3A = arith.constant 0 : i32
      %dma_wait3A_75 = arith.constant 0 : i32
      %dma_wait3A_76 = tpu.memref_slice %arg4[%arg1, %dma_wait3A, %dma_wait3A_75] : memref<16x80x125xi32, #tpu.memory_space<hbm>> -> memref<1x80x125xi32, #tpu.memory_space<hbm>>
      %dma_wait3A_77 = tpu.memref_squeeze %dma_wait3A_76 : memref<1x80x125xi32, #tpu.memory_space<hbm>> -> memref<80x125xi32, #tpu.memory_space<hbm>>
      %dma_wait3A_78 = arith.constant 0 : i32
      %dma_wait3A_79 = arith.constant 0 : i32
      %dma_wait3A_80 = tpu.memref_slice %arg4[%arg1, %dma_wait3A_78, %dma_wait3A_79] : memref<16x80x125xi32, #tpu.memory_space<hbm>> -> memref<1x80x125xi32, #tpu.memory_space<hbm>>
      %dma_wait3A_81 = tpu.memref_squeeze %dma_wait3A_80 : memref<1x80x125xi32, #tpu.memory_space<hbm>> -> memref<80x125xi32, #tpu.memory_space<hbm>>
      tpu.wait_dma2 semaphore(%run_scoped3A : memref<!tpu.dma_semaphore, #tpu.memory_space<semaphore_mem>>) src(%dma_wait3A_81 : memref<80x125xi32, #tpu.memory_space<hbm>>) dst(%arg8 : memref<80x125xi32, #tpu.memory_space<vmem>>)
      tpu.yield
    }) : () -> ()
    %mul3A = arith.constant 4 : i32
    %mul3A_0 = arith.muli %arg0, %mul3A : i32
    %add3A = arith.constant 0 : i32
    %add3A_1 = arith.addi %mul3A_0, %add3A : i32
    "tpu.region"() ({
      %run_scoped3A = tpu.sem_alloc : memref<!tpu.dma_semaphore, #tpu.memory_space<semaphore_mem>>
      %dma_start3A = arith.constant 0 : i32
      %dma_start3A_68 = arith.constant 0 : i32
      %dma_start3A_69 = tpu.memref_slice %arg3[%add3A_1, %arg1, %dma_start3A, %dma_start3A_68] : memref<8x16x80x125xi32, #tpu.memory_space<hbm>> -> memref<1x1x80x125xi32, #tpu.memory_space<hbm>>
      %dma_start3A_70 = tpu.memref_squeeze %dma_start3A_69 : memref<1x1x80x125xi32, #tpu.memory_space<hbm>> -> memref<80x125xi32, #tpu.memory_space<hbm>>
      %dma_start3A_71 = arith.constant 0 : i32
      %dma_start3A_72 = arith.constant 0 : i32
      %dma_start3A_73 = tpu.memref_slice %arg3[%add3A_1, %arg1, %dma_start3A_71, %dma_start3A_72] : memref<8x16x80x125xi32, #tpu.memory_space<hbm>> -> memref<1x1x80x125xi32, #tpu.memory_space<hbm>>
      %dma_start3A_74 = tpu.memref_squeeze %dma_start3A_73 : memref<1x1x80x125xi32, #tpu.memory_space<hbm>> -> memref<80x125xi32, #tpu.memory_space<hbm>>
      tpu.enqueue_dma source(%dma_start3A_74 : memref<80x125xi32, #tpu.memory_space<hbm>>) target(%arg7 : memref<80x125xi32, #tpu.memory_space<vmem>>) target_semaphore(%run_scoped3A : memref<!tpu.dma_semaphore, #tpu.memory_space<semaphore_mem>>)
      %dma_wait3A = arith.constant 0 : i32
      %dma_wait3A_75 = arith.constant 0 : i32
      %dma_wait3A_76 = tpu.memref_slice %arg3[%add3A_1, %arg1, %dma_wait3A, %dma_wait3A_75] : memref<8x16x80x125xi32, #tpu.memory_space<hbm>> -> memref<1x1x80x125xi32, #tpu.memory_space<hbm>>
      %dma_wait3A_77 = tpu.memref_squeeze %dma_wait3A_76 : memref<1x1x80x125xi32, #tpu.memory_space<hbm>> -> memref<80x125xi32, #tpu.memory_space<hbm>>
      %dma_wait3A_78 = arith.constant 0 : i32
      %dma_wait3A_79 = arith.constant 0 : i32
      %dma_wait3A_80 = tpu.memref_slice %arg3[%add3A_1, %arg1, %dma_wait3A_78, %dma_wait3A_79] : memref<8x16x80x125xi32, #tpu.memory_space<hbm>> -> memref<1x1x80x125xi32, #tpu.memory_space<hbm>>
      %dma_wait3A_81 = tpu.memref_squeeze %dma_wait3A_80 : memref<1x1x80x125xi32, #tpu.memory_space<hbm>> -> memref<80x125xi32, #tpu.memory_space<hbm>>
      tpu.wait_dma2 semaphore(%run_scoped3A : memref<!tpu.dma_semaphore, #tpu.memory_space<semaphore_mem>>) src(%dma_wait3A_81 : memref<80x125xi32, #tpu.memory_space<hbm>>) dst(%arg7 : memref<80x125xi32, #tpu.memory_space<vmem>>)
      tpu.yield
    }) : () -> ()
    %mul3A_2 = arith.constant 640 : i32
    %mul3A_3 = arith.muli %arg1, %mul3A_2 : i32
    "tpu.region"() ({
      %run_scoped3A = tpu.sem_alloc : memref<!tpu.dma_semaphore, #tpu.memory_space<semaphore_mem>>
      %dma_start3A = arith.constant 0 : i32
      %dma_start3A_68 = tpu.memref_slice %arg10[%mul3A_3, %dma_start3A] : memref<10240x128xf32, #tpu.memory_space<vmem_shared>> -> memref<640x128xf32, #tpu.memory_space<vmem_shared>>
      tpu.enqueue_dma source(%arg5 : memref<640x128xf32, #tpu.memory_space<hbm>>) target(%dma_start3A_68 : memref<640x128xf32, #tpu.memory_space<vmem_shared>>) target_semaphore(%run_scoped3A : memref<!tpu.dma_semaphore, #tpu.memory_space<semaphore_mem>>)
      %dma_wait3A = arith.constant 0 : i32
      %dma_wait3A_69 = tpu.memref_slice %arg10[%mul3A_3, %dma_wait3A] : memref<10240x128xf32, #tpu.memory_space<vmem_shared>> -> memref<640x128xf32, #tpu.memory_space<vmem_shared>>
      tpu.wait_dma2 semaphore(%run_scoped3A : memref<!tpu.dma_semaphore, #tpu.memory_space<semaphore_mem>>) src(%arg5 : memref<640x128xf32, #tpu.memory_space<hbm>>) dst(%dma_wait3A_69 : memref<640x128xf32, #tpu.memory_space<vmem_shared>>)
      tpu.yield
    }) : () -> ()
    %barrier3A = arith.constant 0 : index
    tpu.barrier barrier_id(%barrier3A)
    %scan3A = arith.constant 0 : i32
    %scan3A_4 = arith.constant 0 : i32
    %scan3A_5 = arith.constant 80 : i32
    %scan3A_6 = arith.addi %scan3A_4, %scan3A_5 : i32
    %scan3A_7 = arith.constant 1 : i32
    scf.for %scan3A_68 = %scan3A_4 to %scan3A_6 step %scan3A_7  : i32 {
      %dma_start3A = arith.constant 0 : i32
      %dma_start3A_69 = tpu.memref_slice %arg7[%scan3A_68, %dma_start3A] : memref<80x125xi32, #tpu.memory_space<vmem>> -> memref<1x125xi32, #tpu.memory_space<vmem>>
      %dma_start3A_70 = tpu.memref_squeeze %dma_start3A_69 : memref<1x125xi32, #tpu.memory_space<vmem>> -> memref<125xi32, #tpu.memory_space<vmem>>
      %dma_start3A_71 = arith.constant 0 : i32
      %dma_start3A_72 = arith.constant 0 : i32
      %dma_start3A_73 = tpu.memref_slice %arg2[%dma_start3A_71, %dma_start3A_72] : memref<80000x128xf32, #tpu.memory_space<hbm>> -> memref<80000x128xf32, #tpu.memory_space<hbm>>
      tpu.enqueue_indirect_dma source(%dma_start3A_73 : memref<80000x128xf32, #tpu.memory_space<hbm>>) target(%arg9 : memref<125x128xf32, #tpu.memory_space<vmem>>) offsets(%dma_start3A_70 : memref<125xi32, #tpu.memory_space<vmem>>) semaphore(%arg11 : memref<!tpu.dma_semaphore, #tpu.memory_space<semaphore_mem>>)
      %dma_wait3A = arith.constant 0 : i32
      %dma_wait3A_74 = tpu.memref_slice %arg7[%scan3A_68, %dma_wait3A] : memref<80x125xi32, #tpu.memory_space<vmem>> -> memref<1x125xi32, #tpu.memory_space<vmem>>
      %dma_wait3A_75 = tpu.memref_squeeze %dma_wait3A_74 : memref<1x125xi32, #tpu.memory_space<vmem>> -> memref<125xi32, #tpu.memory_space<vmem>>
      %dma_wait3A_76 = arith.constant 0 : i32
      %dma_wait3A_77 = arith.constant 0 : i32
      %dma_wait3A_78 = tpu.memref_slice %arg2[%dma_wait3A_76, %dma_wait3A_77] : memref<80000x128xf32, #tpu.memory_space<hbm>> -> memref<80000x128xf32, #tpu.memory_space<hbm>>
      tpu.wait_indirect_dma semaphore(%arg11 : memref<!tpu.dma_semaphore, #tpu.memory_space<semaphore_mem>>) src(%dma_wait3A_78 : memref<80000x128xf32, #tpu.memory_space<hbm>>) dst(%arg9 : memref<125x128xf32, #tpu.memory_space<vmem>>)
      "tpu.region"() ({
        %run_scoped3A = tpu.sem_alloc : memref<!tpu.dma_semaphore, #tpu.memory_space<semaphore_mem>>
        %dma_start3A_79 = arith.constant 0 : i32
        %dma_start3A_80 = tpu.memref_slice %arg8[%scan3A_68, %dma_start3A_79] : memref<80x125xi32, #tpu.memory_space<vmem>> -> memref<1x125xi32, #tpu.memory_space<vmem>>
        %dma_start3A_81 = tpu.memref_squeeze %dma_start3A_80 : memref<1x125xi32, #tpu.memory_space<vmem>> -> memref<125xi32, #tpu.memory_space<vmem>>
        %dma_start3A_82 = arith.constant 0 : i32
        %dma_start3A_83 = arith.constant 0 : i32
        %dma_start3A_84 = tpu.memref_slice %arg10[%dma_start3A_82, %dma_start3A_83] : memref<10240x128xf32, #tpu.memory_space<vmem_shared>> -> memref<10240x128xf32, #tpu.memory_space<vmem_shared>>
        tpu.enqueue_indirect_dma source(%arg9 : memref<125x128xf32, #tpu.memory_space<vmem>>) target(%dma_start3A_84 : memref<10240x128xf32, #tpu.memory_space<vmem_shared>>) offsets(%dma_start3A_81 : memref<125xi32, #tpu.memory_space<vmem>>) semaphore(%run_scoped3A : memref<!tpu.dma_semaphore, #tpu.memory_space<semaphore_mem>>) {add = true}
        %dma_wait3A_85 = arith.constant 0 : i32
        %dma_wait3A_86 = tpu.memref_slice %arg8[%scan3A_68, %dma_wait3A_85] : memref<80x125xi32, #tpu.memory_space<vmem>> -> memref<1x125xi32, #tpu.memory_space<vmem>>
        %dma_wait3A_87 = tpu.memref_squeeze %dma_wait3A_86 : memref<1x125xi32, #tpu.memory_space<vmem>> -> memref<125xi32, #tpu.memory_space<vmem>>
        %dma_wait3A_88 = arith.constant 0 : i32
        %dma_wait3A_89 = arith.constant 0 : i32
        %dma_wait3A_90 = tpu.memref_slice %arg10[%dma_wait3A_88, %dma_wait3A_89] : memref<10240x128xf32, #tpu.memory_space<vmem_shared>> -> memref<10240x128xf32, #tpu.memory_space<vmem_shared>>
        tpu.wait_indirect_dma semaphore(%run_scoped3A : memref<!tpu.dma_semaphore, #tpu.memory_space<semaphore_mem>>) src(%arg9 : memref<125x128xf32, #tpu.memory_space<vmem>>) dst(%dma_wait3A_90 : memref<10240x128xf32, #tpu.memory_space<vmem_shared>>)
        tpu.yield
      }) : () -> ()
    }
    %scan3A_8 = arith.constant 80 : i32
    %barrier3A_9 = arith.constant 0 : index
    tpu.barrier barrier_id(%barrier3A_9)
    %mul3A_10 = arith.constant 640 : i32
    %mul3A_11 = arith.muli %arg1, %mul3A_10 : i32
    %mul3A_12 = arith.constant 640 : i32
    %mul3A_13 = arith.muli %arg1, %mul3A_12 : i32
    "tpu.region"() ({
      %run_scoped3A = tpu.sem_alloc : memref<!tpu.dma_semaphore, #tpu.memory_space<semaphore_mem>>
      %dma_start3A = arith.constant 0 : i32
      %dma_start3A_68 = tpu.memref_slice %arg6[%add3A_1, %mul3A_13, %dma_start3A] : memref<8x10240x128xf32, #tpu.memory_space<hbm>> -> memref<1x640x128xf32, #tpu.memory_space<hbm>>
      %dma_start3A_69 = tpu.memref_squeeze %dma_start3A_68 : memref<1x640x128xf32, #tpu.memory_space<hbm>> -> memref<640x128xf32, #tpu.memory_space<hbm>>
      %dma_start3A_70 = arith.constant 0 : i32
      %dma_start3A_71 = tpu.memref_slice %arg10[%mul3A_11, %dma_start3A_70] : memref<10240x128xf32, #tpu.memory_space<vmem_shared>> -> memref<640x128xf32, #tpu.memory_space<vmem_shared>>
      tpu.enqueue_dma source(%dma_start3A_71 : memref<640x128xf32, #tpu.memory_space<vmem_shared>>) target(%dma_start3A_69 : memref<640x128xf32, #tpu.memory_space<hbm>>) target_semaphore(%run_scoped3A : memref<!tpu.dma_semaphore, #tpu.memory_space<semaphore_mem>>)
      %dma_wait3A = arith.constant 0 : i32
      %dma_wait3A_72 = tpu.memref_slice %arg6[%add3A_1, %mul3A_13, %dma_wait3A] : memref<8x10240x128xf32, #tpu.memory_space<hbm>> -> memref<1x640x128xf32, #tpu.memory_space<hbm>>
      %dma_wait3A_73 = tpu.memref_squeeze %dma_wait3A_72 : memref<1x640x128xf32, #tpu.memory_space<hbm>> -> memref<640x128xf32, #tpu.memory_space<hbm>>
      %dma_wait3A_74 = arith.constant 0 : i32
      %dma_wait3A_75 = tpu.memref_slice %arg10[%mul3A_11, %dma_wait3A_74] : memref<10240x128xf32, #tpu.memory_space<vmem_shared>> -> memref<640x128xf32, #tpu.memory_space<vmem_shared>>
      tpu.wait_dma2 semaphore(%run_scoped3A : memref<!tpu.dma_semaphore, #tpu.memory_space<semaphore_mem>>) src(%dma_wait3A_75 : memref<640x128xf32, #tpu.memory_space<vmem_shared>>) dst(%dma_wait3A_73 : memref<640x128xf32, #tpu.memory_space<hbm>>)
      tpu.yield
    }) : () -> ()
    %mul3A_14 = arith.constant 4 : i32
    %mul3A_15 = arith.muli %arg0, %mul3A_14 : i32
    %add3A_16 = arith.constant 1 : i32
    %add3A_17 = arith.addi %mul3A_15, %add3A_16 : i32
    "tpu.region"() ({
      %run_scoped3A = tpu.sem_alloc : memref<!tpu.dma_semaphore, #tpu.memory_space<semaphore_mem>>
      %dma_start3A = arith.constant 0 : i32
      %dma_start3A_68 = arith.constant 0 : i32
      %dma_start3A_69 = tpu.memref_slice %arg3[%add3A_17, %arg1, %dma_start3A, %dma_start3A_68] : memref<8x16x80x125xi32, #tpu.memory_space<hbm>> -> memref<1x1x80x125xi32, #tpu.memory_space<hbm>>
      %dma_start3A_70 = tpu.memref_squeeze %dma_start3A_69 : memref<1x1x80x125xi32, #tpu.memory_space<hbm>> -> memref<80x125xi32, #tpu.memory_space<hbm>>
      %dma_start3A_71 = arith.constant 0 : i32
      %dma_start3A_72 = arith.constant 0 : i32
      %dma_start3A_73 = tpu.memref_slice %arg3[%add3A_17, %arg1, %dma_start3A_71, %dma_start3A_72] : memref<8x16x80x125xi32, #tpu.memory_space<hbm>> -> memref<1x1x80x125xi32, #tpu.memory_space<hbm>>
      %dma_start3A_74 = tpu.memref_squeeze %dma_start3A_73 : memref<1x1x80x125xi32, #tpu.memory_space<hbm>> -> memref<80x125xi32, #tpu.memory_space<hbm>>
      tpu.enqueue_dma source(%dma_start3A_74 : memref<80x125xi32, #tpu.memory_space<hbm>>) target(%arg7 : memref<80x125xi32, #tpu.memory_space<vmem>>) target_semaphore(%run_scoped3A : memref<!tpu.dma_semaphore, #tpu.memory_space<semaphore_mem>>)
      %dma_wait3A = arith.constant 0 : i32
      %dma_wait3A_75 = arith.constant 0 : i32
      %dma_wait3A_76 = tpu.memref_slice %arg3[%add3A_17, %arg1, %dma_wait3A, %dma_wait3A_75] : memref<8x16x80x125xi32, #tpu.memory_space<hbm>> -> memref<1x1x80x125xi32, #tpu.memory_space<hbm>>
      %dma_wait3A_77 = tpu.memref_squeeze %dma_wait3A_76 : memref<1x1x80x125xi32, #tpu.memory_space<hbm>> -> memref<80x125xi32, #tpu.memory_space<hbm>>
      %dma_wait3A_78 = arith.constant 0 : i32
      %dma_wait3A_79 = arith.constant 0 : i32
      %dma_wait3A_80 = tpu.memref_slice %arg3[%add3A_17, %arg1, %dma_wait3A_78, %dma_wait3A_79] : memref<8x16x80x125xi32, #tpu.memory_space<hbm>> -> memref<1x1x80x125xi32, #tpu.memory_space<hbm>>
      %dma_wait3A_81 = tpu.memref_squeeze %dma_wait3A_80 : memref<1x1x80x125xi32, #tpu.memory_space<hbm>> -> memref<80x125xi32, #tpu.memory_space<hbm>>
      tpu.wait_dma2 semaphore(%run_scoped3A : memref<!tpu.dma_semaphore, #tpu.memory_space<semaphore_mem>>) src(%dma_wait3A_81 : memref<80x125xi32, #tpu.memory_space<hbm>>) dst(%arg7 : memref<80x125xi32, #tpu.memory_space<vmem>>)
      tpu.yield
    }) : () -> ()
    %mul3A_18 = arith.constant 640 : i32
    %mul3A_19 = arith.muli %arg1, %mul3A_18 : i32
    "tpu.region"() ({
      %run_scoped3A = tpu.sem_alloc : memref<!tpu.dma_semaphore, #tpu.memory_space<semaphore_mem>>
      %dma_start3A = arith.constant 0 : i32
      %dma_start3A_68 = tpu.memref_slice %arg10[%mul3A_19, %dma_start3A] : memref<10240x128xf32, #tpu.memory_space<vmem_shared>> -> memref<640x128xf32, #tpu.memory_space<vmem_shared>>
      tpu.enqueue_dma source(%arg5 : memref<640x128xf32, #tpu.memory_space<hbm>>) target(%dma_start3A_68 : memref<640x128xf32, #tpu.memory_space<vmem_shared>>) target_semaphore(%run_scoped3A : memref<!tpu.dma_semaphore, #tpu.memory_space<semaphore_mem>>)
      %dma_wait3A = arith.constant 0 : i32
      %dma_wait3A_69 = tpu.memref_slice %arg10[%mul3A_19, %dma_wait3A] : memref<10240x128xf32, #tpu.memory_space<vmem_shared>> -> memref<640x128xf32, #tpu.memory_space<vmem_shared>>
      tpu.wait_dma2 semaphore(%run_scoped3A : memref<!tpu.dma_semaphore, #tpu.memory_space<semaphore_mem>>) src(%arg5 : memref<640x128xf32, #tpu.memory_space<hbm>>) dst(%dma_wait3A_69 : memref<640x128xf32, #tpu.memory_space<vmem_shared>>)
      tpu.yield
    }) : () -> ()
    %barrier3A_20 = arith.constant 0 : index
    tpu.barrier barrier_id(%barrier3A_20)
    %scan3A_21 = arith.constant 0 : i32
    %scan3A_22 = arith.constant 0 : i32
    %scan3A_23 = arith.constant 80 : i32
    %scan3A_24 = arith.addi %scan3A_22, %scan3A_23 : i32
    %scan3A_25 = arith.constant 1 : i32
    scf.for %scan3A_68 = %scan3A_22 to %scan3A_24 step %scan3A_25  : i32 {
      %dma_start3A = arith.constant 0 : i32
      %dma_start3A_69 = tpu.memref_slice %arg7[%scan3A_68, %dma_start3A] : memref<80x125xi32, #tpu.memory_space<vmem>> -> memref<1x125xi32, #tpu.memory_space<vmem>>
      %dma_start3A_70 = tpu.memref_squeeze %dma_start3A_69 : memref<1x125xi32, #tpu.memory_space<vmem>> -> memref<125xi32, #tpu.memory_space<vmem>>
      %dma_start3A_71 = arith.constant 0 : i32
      %dma_start3A_72 = arith.constant 0 : i32
      %dma_start3A_73 = tpu.memref_slice %arg2[%dma_start3A_71, %dma_start3A_72] : memref<80000x128xf32, #tpu.memory_space<hbm>> -> memref<80000x128xf32, #tpu.memory_space<hbm>>
      tpu.enqueue_indirect_dma source(%dma_start3A_73 : memref<80000x128xf32, #tpu.memory_space<hbm>>) target(%arg9 : memref<125x128xf32, #tpu.memory_space<vmem>>) offsets(%dma_start3A_70 : memref<125xi32, #tpu.memory_space<vmem>>) semaphore(%arg11 : memref<!tpu.dma_semaphore, #tpu.memory_space<semaphore_mem>>)
      %dma_wait3A = arith.constant 0 : i32
      %dma_wait3A_74 = tpu.memref_slice %arg7[%scan3A_68, %dma_wait3A] : memref<80x125xi32, #tpu.memory_space<vmem>> -> memref<1x125xi32, #tpu.memory_space<vmem>>
      %dma_wait3A_75 = tpu.memref_squeeze %dma_wait3A_74 : memref<1x125xi32, #tpu.memory_space<vmem>> -> memref<125xi32, #tpu.memory_space<vmem>>
      %dma_wait3A_76 = arith.constant 0 : i32
      %dma_wait3A_77 = arith.constant 0 : i32
      %dma_wait3A_78 = tpu.memref_slice %arg2[%dma_wait3A_76, %dma_wait3A_77] : memref<80000x128xf32, #tpu.memory_space<hbm>> -> memref<80000x128xf32, #tpu.memory_space<hbm>>
      tpu.wait_indirect_dma semaphore(%arg11 : memref<!tpu.dma_semaphore, #tpu.memory_space<semaphore_mem>>) src(%dma_wait3A_78 : memref<80000x128xf32, #tpu.memory_space<hbm>>) dst(%arg9 : memref<125x128xf32, #tpu.memory_space<vmem>>)
      "tpu.region"() ({
        %run_scoped3A = tpu.sem_alloc : memref<!tpu.dma_semaphore, #tpu.memory_space<semaphore_mem>>
        %dma_start3A_79 = arith.constant 0 : i32
        %dma_start3A_80 = tpu.memref_slice %arg8[%scan3A_68, %dma_start3A_79] : memref<80x125xi32, #tpu.memory_space<vmem>> -> memref<1x125xi32, #tpu.memory_space<vmem>>
        %dma_start3A_81 = tpu.memref_squeeze %dma_start3A_80 : memref<1x125xi32, #tpu.memory_space<vmem>> -> memref<125xi32, #tpu.memory_space<vmem>>
        %dma_start3A_82 = arith.constant 0 : i32
        %dma_start3A_83 = arith.constant 0 : i32
        %dma_start3A_84 = tpu.memref_slice %arg10[%dma_start3A_82, %dma_start3A_83] : memref<10240x128xf32, #tpu.memory_space<vmem_shared>> -> memref<10240x128xf32, #tpu.memory_space<vmem_shared>>
        tpu.enqueue_indirect_dma source(%arg9 : memref<125x128xf32, #tpu.memory_space<vmem>>) target(%dma_start3A_84 : memref<10240x128xf32, #tpu.memory_space<vmem_shared>>) offsets(%dma_start3A_81 : memref<125xi32, #tpu.memory_space<vmem>>) semaphore(%run_scoped3A : memref<!tpu.dma_semaphore, #tpu.memory_space<semaphore_mem>>) {add = true}
        %dma_wait3A_85 = arith.constant 0 : i32
        %dma_wait3A_86 = tpu.memref_slice %arg8[%scan3A_68, %dma_wait3A_85] : memref<80x125xi32, #tpu.memory_space<vmem>> -> memref<1x125xi32, #tpu.memory_space<vmem>>
        %dma_wait3A_87 = tpu.memref_squeeze %dma_wait3A_86 : memref<1x125xi32, #tpu.memory_space<vmem>> -> memref<125xi32, #tpu.memory_space<vmem>>
        %dma_wait3A_88 = arith.constant 0 : i32
        %dma_wait3A_89 = arith.constant 0 : i32
        %dma_wait3A_90 = tpu.memref_slice %arg10[%dma_wait3A_88, %dma_wait3A_89] : memref<10240x128xf32, #tpu.memory_space<vmem_shared>> -> memref<10240x128xf32, #tpu.memory_space<vmem_shared>>
        tpu.wait_indirect_dma semaphore(%run_scoped3A : memref<!tpu.dma_semaphore, #tpu.memory_space<semaphore_mem>>) src(%arg9 : memref<125x128xf32, #tpu.memory_space<vmem>>) dst(%dma_wait3A_90 : memref<10240x128xf32, #tpu.memory_space<vmem_shared>>)
        tpu.yield
      }) : () -> ()
    }
    %scan3A_26 = arith.constant 80 : i32
    %barrier3A_27 = arith.constant 0 : index
    tpu.barrier barrier_id(%barrier3A_27)
    %mul3A_28 = arith.constant 640 : i32
    %mul3A_29 = arith.muli %arg1, %mul3A_28 : i32
    %mul3A_30 = arith.constant 640 : i32
    %mul3A_31 = arith.muli %arg1, %mul3A_30 : i32
    "tpu.region"() ({
      %run_scoped3A = tpu.sem_alloc : memref<!tpu.dma_semaphore, #tpu.memory_space<semaphore_mem>>
      %dma_start3A = arith.constant 0 : i32
      %dma_start3A_68 = tpu.memref_slice %arg6[%add3A_17, %mul3A_31, %dma_start3A] : memref<8x10240x128xf32, #tpu.memory_space<hbm>> -> memref<1x640x128xf32, #tpu.memory_space<hbm>>
      %dma_start3A_69 = tpu.memref_squeeze %dma_start3A_68 : memref<1x640x128xf32, #tpu.memory_space<hbm>> -> memref<640x128xf32, #tpu.memory_space<hbm>>
      %dma_start3A_70 = arith.constant 0 : i32
      %dma_start3A_71 = tpu.memref_slice %arg10[%mul3A_29, %dma_start3A_70] : memref<10240x128xf32, #tpu.memory_space<vmem_shared>> -> memref<640x128xf32, #tpu.memory_space<vmem_shared>>
      tpu.enqueue_dma source(%dma_start3A_71 : memref<640x128xf32, #tpu.memory_space<vmem_shared>>) target(%dma_start3A_69 : memref<640x128xf32, #tpu.memory_space<hbm>>) target_semaphore(%run_scoped3A : memref<!tpu.dma_semaphore, #tpu.memory_space<semaphore_mem>>)
      %dma_wait3A = arith.constant 0 : i32
      %dma_wait3A_72 = tpu.memref_slice %arg6[%add3A_17, %mul3A_31, %dma_wait3A] : memref<8x10240x128xf32, #tpu.memory_space<hbm>> -> memref<1x640x128xf32, #tpu.memory_space<hbm>>
      %dma_wait3A_73 = tpu.memref_squeeze %dma_wait3A_72 : memref<1x640x128xf32, #tpu.memory_space<hbm>> -> memref<640x128xf32, #tpu.memory_space<hbm>>
      %dma_wait3A_74 = arith.constant 0 : i32
      %dma_wait3A_75 = tpu.memref_slice %arg10[%mul3A_29, %dma_wait3A_74] : memref<10240x128xf32, #tpu.memory_space<vmem_shared>> -> memref<640x128xf32, #tpu.memory_space<vmem_shared>>
      tpu.wait_dma2 semaphore(%run_scoped3A : memref<!tpu.dma_semaphore, #tpu.memory_space<semaphore_mem>>) src(%dma_wait3A_75 : memref<640x128xf32, #tpu.memory_space<vmem_shared>>) dst(%dma_wait3A_73 : memref<640x128xf32, #tpu.memory_space<hbm>>)
      tpu.yield
    }) : () -> ()
    %mul3A_32 = arith.constant 4 : i32
    %mul3A_33 = arith.muli %arg0, %mul3A_32 : i32
    %add3A_34 = arith.constant 2 : i32
    %add3A_35 = arith.addi %mul3A_33, %add3A_34 : i32
    "tpu.region"() ({
      %run_scoped3A = tpu.sem_alloc : memref<!tpu.dma_semaphore, #tpu.memory_space<semaphore_mem>>
      %dma_start3A = arith.constant 0 : i32
      %dma_start3A_68 = arith.constant 0 : i32
      %dma_start3A_69 = tpu.memref_slice %arg3[%add3A_35, %arg1, %dma_start3A, %dma_start3A_68] : memref<8x16x80x125xi32, #tpu.memory_space<hbm>> -> memref<1x1x80x125xi32, #tpu.memory_space<hbm>>
      %dma_start3A_70 = tpu.memref_squeeze %dma_start3A_69 : memref<1x1x80x125xi32, #tpu.memory_space<hbm>> -> memref<80x125xi32, #tpu.memory_space<hbm>>
      %dma_start3A_71 = arith.constant 0 : i32
      %dma_start3A_72 = arith.constant 0 : i32
      %dma_start3A_73 = tpu.memref_slice %arg3[%add3A_35, %arg1, %dma_start3A_71, %dma_start3A_72] : memref<8x16x80x125xi32, #tpu.memory_space<hbm>> -> memref<1x1x80x125xi32, #tpu.memory_space<hbm>>
      %dma_start3A_74 = tpu.memref_squeeze %dma_start3A_73 : memref<1x1x80x125xi32, #tpu.memory_space<hbm>> -> memref<80x125xi32, #tpu.memory_space<hbm>>
      tpu.enqueue_dma source(%dma_start3A_74 : memref<80x125xi32, #tpu.memory_space<hbm>>) target(%arg7 : memref<80x125xi32, #tpu.memory_space<vmem>>) target_semaphore(%run_scoped3A : memref<!tpu.dma_semaphore, #tpu.memory_space<semaphore_mem>>)
      %dma_wait3A = arith.constant 0 : i32
      %dma_wait3A_75 = arith.constant 0 : i32
      %dma_wait3A_76 = tpu.memref_slice %arg3[%add3A_35, %arg1, %dma_wait3A, %dma_wait3A_75] : memref<8x16x80x125xi32, #tpu.memory_space<hbm>> -> memref<1x1x80x125xi32, #tpu.memory_space<hbm>>
      %dma_wait3A_77 = tpu.memref_squeeze %dma_wait3A_76 : memref<1x1x80x125xi32, #tpu.memory_space<hbm>> -> memref<80x125xi32, #tpu.memory_space<hbm>>
      %dma_wait3A_78 = arith.constant 0 : i32
      %dma_wait3A_79 = arith.constant 0 : i32
      %dma_wait3A_80 = tpu.memref_slice %arg3[%add3A_35, %arg1, %dma_wait3A_78, %dma_wait3A_79] : memref<8x16x80x125xi32, #tpu.memory_space<hbm>> -> memref<1x1x80x125xi32, #tpu.memory_space<hbm>>
      %dma_wait3A_81 = tpu.memref_squeeze %dma_wait3A_80 : memref<1x1x80x125xi32, #tpu.memory_space<hbm>> -> memref<80x125xi32, #tpu.memory_space<hbm>>
      tpu.wait_dma2 semaphore(%run_scoped3A : memref<!tpu.dma_semaphore, #tpu.memory_space<semaphore_mem>>) src(%dma_wait3A_81 : memref<80x125xi32, #tpu.memory_space<hbm>>) dst(%arg7 : memref<80x125xi32, #tpu.memory_space<vmem>>)
      tpu.yield
    }) : () -> ()
    %mul3A_36 = arith.constant 640 : i32
    %mul3A_37 = arith.muli %arg1, %mul3A_36 : i32
    "tpu.region"() ({
      %run_scoped3A = tpu.sem_alloc : memref<!tpu.dma_semaphore, #tpu.memory_space<semaphore_mem>>
      %dma_start3A = arith.constant 0 : i32
      %dma_start3A_68 = tpu.memref_slice %arg10[%mul3A_37, %dma_start3A] : memref<10240x128xf32, #tpu.memory_space<vmem_shared>> -> memref<640x128xf32, #tpu.memory_space<vmem_shared>>
      tpu.enqueue_dma source(%arg5 : memref<640x128xf32, #tpu.memory_space<hbm>>) target(%dma_start3A_68 : memref<640x128xf32, #tpu.memory_space<vmem_shared>>) target_semaphore(%run_scoped3A : memref<!tpu.dma_semaphore, #tpu.memory_space<semaphore_mem>>)
      %dma_wait3A = arith.constant 0 : i32
      %dma_wait3A_69 = tpu.memref_slice %arg10[%mul3A_37, %dma_wait3A] : memref<10240x128xf32, #tpu.memory_space<vmem_shared>> -> memref<640x128xf32, #tpu.memory_space<vmem_shared>>
      tpu.wait_dma2 semaphore(%run_scoped3A : memref<!tpu.dma_semaphore, #tpu.memory_space<semaphore_mem>>) src(%arg5 : memref<640x128xf32, #tpu.memory_space<hbm>>) dst(%dma_wait3A_69 : memref<640x128xf32, #tpu.memory_space<vmem_shared>>)
      tpu.yield
    }) : () -> ()
    %barrier3A_38 = arith.constant 0 : index
    tpu.barrier barrier_id(%barrier3A_38)
    %scan3A_39 = arith.constant 0 : i32
    %scan3A_40 = arith.constant 0 : i32
    %scan3A_41 = arith.constant 80 : i32
    %scan3A_42 = arith.addi %scan3A_40, %scan3A_41 : i32
    %scan3A_43 = arith.constant 1 : i32
    scf.for %scan3A_68 = %scan3A_40 to %scan3A_42 step %scan3A_43  : i32 {
      %dma_start3A = arith.constant 0 : i32
      %dma_start3A_69 = tpu.memref_slice %arg7[%scan3A_68, %dma_start3A] : memref<80x125xi32, #tpu.memory_space<vmem>> -> memref<1x125xi32, #tpu.memory_space<vmem>>
      %dma_start3A_70 = tpu.memref_squeeze %dma_start3A_69 : memref<1x125xi32, #tpu.memory_space<vmem>> -> memref<125xi32, #tpu.memory_space<vmem>>
      %dma_start3A_71 = arith.constant 0 : i32
      %dma_start3A_72 = arith.constant 0 : i32
      %dma_start3A_73 = tpu.memref_slice %arg2[%dma_start3A_71, %dma_start3A_72] : memref<80000x128xf32, #tpu.memory_space<hbm>> -> memref<80000x128xf32, #tpu.memory_space<hbm>>
      tpu.enqueue_indirect_dma source(%dma_start3A_73 : memref<80000x128xf32, #tpu.memory_space<hbm>>) target(%arg9 : memref<125x128xf32, #tpu.memory_space<vmem>>) offsets(%dma_start3A_70 : memref<125xi32, #tpu.memory_space<vmem>>) semaphore(%arg11 : memref<!tpu.dma_semaphore, #tpu.memory_space<semaphore_mem>>)
      %dma_wait3A = arith.constant 0 : i32
      %dma_wait3A_74 = tpu.memref_slice %arg7[%scan3A_68, %dma_wait3A] : memref<80x125xi32, #tpu.memory_space<vmem>> -> memref<1x125xi32, #tpu.memory_space<vmem>>
      %dma_wait3A_75 = tpu.memref_squeeze %dma_wait3A_74 : memref<1x125xi32, #tpu.memory_space<vmem>> -> memref<125xi32, #tpu.memory_space<vmem>>
      %dma_wait3A_76 = arith.constant 0 : i32
      %dma_wait3A_77 = arith.constant 0 : i32
      %dma_wait3A_78 = tpu.memref_slice %arg2[%dma_wait3A_76, %dma_wait3A_77] : memref<80000x128xf32, #tpu.memory_space<hbm>> -> memref<80000x128xf32, #tpu.memory_space<hbm>>
      tpu.wait_indirect_dma semaphore(%arg11 : memref<!tpu.dma_semaphore, #tpu.memory_space<semaphore_mem>>) src(%dma_wait3A_78 : memref<80000x128xf32, #tpu.memory_space<hbm>>) dst(%arg9 : memref<125x128xf32, #tpu.memory_space<vmem>>)
      "tpu.region"() ({
        %run_scoped3A = tpu.sem_alloc : memref<!tpu.dma_semaphore, #tpu.memory_space<semaphore_mem>>
        %dma_start3A_79 = arith.constant 0 : i32
        %dma_start3A_80 = tpu.memref_slice %arg8[%scan3A_68, %dma_start3A_79] : memref<80x125xi32, #tpu.memory_space<vmem>> -> memref<1x125xi32, #tpu.memory_space<vmem>>
        %dma_start3A_81 = tpu.memref_squeeze %dma_start3A_80 : memref<1x125xi32, #tpu.memory_space<vmem>> -> memref<125xi32, #tpu.memory_space<vmem>>
        %dma_start3A_82 = arith.constant 0 : i32
        %dma_start3A_83 = arith.constant 0 : i32
        %dma_start3A_84 = tpu.memref_slice %arg10[%dma_start3A_82, %dma_start3A_83] : memref<10240x128xf32, #tpu.memory_space<vmem_shared>> -> memref<10240x128xf32, #tpu.memory_space<vmem_shared>>
        tpu.enqueue_indirect_dma source(%arg9 : memref<125x128xf32, #tpu.memory_space<vmem>>) target(%dma_start3A_84 : memref<10240x128xf32, #tpu.memory_space<vmem_shared>>) offsets(%dma_start3A_81 : memref<125xi32, #tpu.memory_space<vmem>>) semaphore(%run_scoped3A : memref<!tpu.dma_semaphore, #tpu.memory_space<semaphore_mem>>) {add = true}
        %dma_wait3A_85 = arith.constant 0 : i32
        %dma_wait3A_86 = tpu.memref_slice %arg8[%scan3A_68, %dma_wait3A_85] : memref<80x125xi32, #tpu.memory_space<vmem>> -> memref<1x125xi32, #tpu.memory_space<vmem>>
        %dma_wait3A_87 = tpu.memref_squeeze %dma_wait3A_86 : memref<1x125xi32, #tpu.memory_space<vmem>> -> memref<125xi32, #tpu.memory_space<vmem>>
        %dma_wait3A_88 = arith.constant 0 : i32
        %dma_wait3A_89 = arith.constant 0 : i32
        %dma_wait3A_90 = tpu.memref_slice %arg10[%dma_wait3A_88, %dma_wait3A_89] : memref<10240x128xf32, #tpu.memory_space<vmem_shared>> -> memref<10240x128xf32, #tpu.memory_space<vmem_shared>>
        tpu.wait_indirect_dma semaphore(%run_scoped3A : memref<!tpu.dma_semaphore, #tpu.memory_space<semaphore_mem>>) src(%arg9 : memref<125x128xf32, #tpu.memory_space<vmem>>) dst(%dma_wait3A_90 : memref<10240x128xf32, #tpu.memory_space<vmem_shared>>)
        tpu.yield
      }) : () -> ()
    }
    %scan3A_44 = arith.constant 80 : i32
    %barrier3A_45 = arith.constant 0 : index
    tpu.barrier barrier_id(%barrier3A_45)
    %mul3A_46 = arith.constant 640 : i32
    %mul3A_47 = arith.muli %arg1, %mul3A_46 : i32
    %mul3A_48 = arith.constant 640 : i32
    %mul3A_49 = arith.muli %arg1, %mul3A_48 : i32
    "tpu.region"() ({
      %run_scoped3A = tpu.sem_alloc : memref<!tpu.dma_semaphore, #tpu.memory_space<semaphore_mem>>
      %dma_start3A = arith.constant 0 : i32
      %dma_start3A_68 = tpu.memref_slice %arg6[%add3A_35, %mul3A_49, %dma_start3A] : memref<8x10240x128xf32, #tpu.memory_space<hbm>> -> memref<1x640x128xf32, #tpu.memory_space<hbm>>
      %dma_start3A_69 = tpu.memref_squeeze %dma_start3A_68 : memref<1x640x128xf32, #tpu.memory_space<hbm>> -> memref<640x128xf32, #tpu.memory_space<hbm>>
      %dma_start3A_70 = arith.constant 0 : i32
      %dma_start3A_71 = tpu.memref_slice %arg10[%mul3A_47, %dma_start3A_70] : memref<10240x128xf32, #tpu.memory_space<vmem_shared>> -> memref<640x128xf32, #tpu.memory_space<vmem_shared>>
      tpu.enqueue_dma source(%dma_start3A_71 : memref<640x128xf32, #tpu.memory_space<vmem_shared>>) target(%dma_start3A_69 : memref<640x128xf32, #tpu.memory_space<hbm>>) target_semaphore(%run_scoped3A : memref<!tpu.dma_semaphore, #tpu.memory_space<semaphore_mem>>)
      %dma_wait3A = arith.constant 0 : i32
      %dma_wait3A_72 = tpu.memref_slice %arg6[%add3A_35, %mul3A_49, %dma_wait3A] : memref<8x10240x128xf32, #tpu.memory_space<hbm>> -> memref<1x640x128xf32, #tpu.memory_space<hbm>>
      %dma_wait3A_73 = tpu.memref_squeeze %dma_wait3A_72 : memref<1x640x128xf32, #tpu.memory_space<hbm>> -> memref<640x128xf32, #tpu.memory_space<hbm>>
      %dma_wait3A_74 = arith.constant 0 : i32
      %dma_wait3A_75 = tpu.memref_slice %arg10[%mul3A_47, %dma_wait3A_74] : memref<10240x128xf32, #tpu.memory_space<vmem_shared>> -> memref<640x128xf32, #tpu.memory_space<vmem_shared>>
      tpu.wait_dma2 semaphore(%run_scoped3A : memref<!tpu.dma_semaphore, #tpu.memory_space<semaphore_mem>>) src(%dma_wait3A_75 : memref<640x128xf32, #tpu.memory_space<vmem_shared>>) dst(%dma_wait3A_73 : memref<640x128xf32, #tpu.memory_space<hbm>>)
      tpu.yield
    }) : () -> ()
    %mul3A_50 = arith.constant 4 : i32
    %mul3A_51 = arith.muli %arg0, %mul3A_50 : i32
    %add3A_52 = arith.constant 3 : i32
    %add3A_53 = arith.addi %mul3A_51, %add3A_52 : i32
    "tpu.region"() ({
      %run_scoped3A = tpu.sem_alloc : memref<!tpu.dma_semaphore, #tpu.memory_space<semaphore_mem>>
      %dma_start3A = arith.constant 0 : i32
      %dma_start3A_68 = arith.constant 0 : i32
      %dma_start3A_69 = tpu.memref_slice %arg3[%add3A_53, %arg1, %dma_start3A, %dma_start3A_68] : memref<8x16x80x125xi32, #tpu.memory_space<hbm>> -> memref<1x1x80x125xi32, #tpu.memory_space<hbm>>
      %dma_start3A_70 = tpu.memref_squeeze %dma_start3A_69 : memref<1x1x80x125xi32, #tpu.memory_space<hbm>> -> memref<80x125xi32, #tpu.memory_space<hbm>>
      %dma_start3A_71 = arith.constant 0 : i32
      %dma_start3A_72 = arith.constant 0 : i32
      %dma_start3A_73 = tpu.memref_slice %arg3[%add3A_53, %arg1, %dma_start3A_71, %dma_start3A_72] : memref<8x16x80x125xi32, #tpu.memory_space<hbm>> -> memref<1x1x80x125xi32, #tpu.memory_space<hbm>>
      %dma_start3A_74 = tpu.memref_squeeze %dma_start3A_73 : memref<1x1x80x125xi32, #tpu.memory_space<hbm>> -> memref<80x125xi32, #tpu.memory_space<hbm>>
      tpu.enqueue_dma source(%dma_start3A_74 : memref<80x125xi32, #tpu.memory_space<hbm>>) target(%arg7 : memref<80x125xi32, #tpu.memory_space<vmem>>) target_semaphore(%run_scoped3A : memref<!tpu.dma_semaphore, #tpu.memory_space<semaphore_mem>>)
      %dma_wait3A = arith.constant 0 : i32
      %dma_wait3A_75 = arith.constant 0 : i32
      %dma_wait3A_76 = tpu.memref_slice %arg3[%add3A_53, %arg1, %dma_wait3A, %dma_wait3A_75] : memref<8x16x80x125xi32, #tpu.memory_space<hbm>> -> memref<1x1x80x125xi32, #tpu.memory_space<hbm>>
      %dma_wait3A_77 = tpu.memref_squeeze %dma_wait3A_76 : memref<1x1x80x125xi32, #tpu.memory_space<hbm>> -> memref<80x125xi32, #tpu.memory_space<hbm>>
      %dma_wait3A_78 = arith.constant 0 : i32
      %dma_wait3A_79 = arith.constant 0 : i32
      %dma_wait3A_80 = tpu.memref_slice %arg3[%add3A_53, %arg1, %dma_wait3A_78, %dma_wait3A_79] : memref<8x16x80x125xi32, #tpu.memory_space<hbm>> -> memref<1x1x80x125xi32, #tpu.memory_space<hbm>>
      %dma_wait3A_81 = tpu.memref_squeeze %dma_wait3A_80 : memref<1x1x80x125xi32, #tpu.memory_space<hbm>> -> memref<80x125xi32, #tpu.memory_space<hbm>>
      tpu.wait_dma2 semaphore(%run_scoped3A : memref<!tpu.dma_semaphore, #tpu.memory_space<semaphore_mem>>) src(%dma_wait3A_81 : memref<80x125xi32, #tpu.memory_space<hbm>>) dst(%arg7 : memref<80x125xi32, #tpu.memory_space<vmem>>)
      tpu.yield
    }) : () -> ()
    %mul3A_54 = arith.constant 640 : i32
    %mul3A_55 = arith.muli %arg1, %mul3A_54 : i32
    "tpu.region"() ({
      %run_scoped3A = tpu.sem_alloc : memref<!tpu.dma_semaphore, #tpu.memory_space<semaphore_mem>>
      %dma_start3A = arith.constant 0 : i32
      %dma_start3A_68 = tpu.memref_slice %arg10[%mul3A_55, %dma_start3A] : memref<10240x128xf32, #tpu.memory_space<vmem_shared>> -> memref<640x128xf32, #tpu.memory_space<vmem_shared>>
      tpu.enqueue_dma source(%arg5 : memref<640x128xf32, #tpu.memory_space<hbm>>) target(%dma_start3A_68 : memref<640x128xf32, #tpu.memory_space<vmem_shared>>) target_semaphore(%run_scoped3A : memref<!tpu.dma_semaphore, #tpu.memory_space<semaphore_mem>>)
      %dma_wait3A = arith.constant 0 : i32
      %dma_wait3A_69 = tpu.memref_slice %arg10[%mul3A_55, %dma_wait3A] : memref<10240x128xf32, #tpu.memory_space<vmem_shared>> -> memref<640x128xf32, #tpu.memory_space<vmem_shared>>
      tpu.wait_dma2 semaphore(%run_scoped3A : memref<!tpu.dma_semaphore, #tpu.memory_space<semaphore_mem>>) src(%arg5 : memref<640x128xf32, #tpu.memory_space<hbm>>) dst(%dma_wait3A_69 : memref<640x128xf32, #tpu.memory_space<vmem_shared>>)
      tpu.yield
    }) : () -> ()
    %barrier3A_56 = arith.constant 0 : index
    tpu.barrier barrier_id(%barrier3A_56)
    %scan3A_57 = arith.constant 0 : i32
    %scan3A_58 = arith.constant 0 : i32
    %scan3A_59 = arith.constant 80 : i32
    %scan3A_60 = arith.addi %scan3A_58, %scan3A_59 : i32
    %scan3A_61 = arith.constant 1 : i32
    scf.for %scan3A_68 = %scan3A_58 to %scan3A_60 step %scan3A_61  : i32 {
      %dma_start3A = arith.constant 0 : i32
      %dma_start3A_69 = tpu.memref_slice %arg7[%scan3A_68, %dma_start3A] : memref<80x125xi32, #tpu.memory_space<vmem>> -> memref<1x125xi32, #tpu.memory_space<vmem>>
      %dma_start3A_70 = tpu.memref_squeeze %dma_start3A_69 : memref<1x125xi32, #tpu.memory_space<vmem>> -> memref<125xi32, #tpu.memory_space<vmem>>
      %dma_start3A_71 = arith.constant 0 : i32
      %dma_start3A_72 = arith.constant 0 : i32
      %dma_start3A_73 = tpu.memref_slice %arg2[%dma_start3A_71, %dma_start3A_72] : memref<80000x128xf32, #tpu.memory_space<hbm>> -> memref<80000x128xf32, #tpu.memory_space<hbm>>
      tpu.enqueue_indirect_dma source(%dma_start3A_73 : memref<80000x128xf32, #tpu.memory_space<hbm>>) target(%arg9 : memref<125x128xf32, #tpu.memory_space<vmem>>) offsets(%dma_start3A_70 : memref<125xi32, #tpu.memory_space<vmem>>) semaphore(%arg11 : memref<!tpu.dma_semaphore, #tpu.memory_space<semaphore_mem>>)
      %dma_wait3A = arith.constant 0 : i32
      %dma_wait3A_74 = tpu.memref_slice %arg7[%scan3A_68, %dma_wait3A] : memref<80x125xi32, #tpu.memory_space<vmem>> -> memref<1x125xi32, #tpu.memory_space<vmem>>
      %dma_wait3A_75 = tpu.memref_squeeze %dma_wait3A_74 : memref<1x125xi32, #tpu.memory_space<vmem>> -> memref<125xi32, #tpu.memory_space<vmem>>
      %dma_wait3A_76 = arith.constant 0 : i32
      %dma_wait3A_77 = arith.constant 0 : i32
      %dma_wait3A_78 = tpu.memref_slice %arg2[%dma_wait3A_76, %dma_wait3A_77] : memref<80000x128xf32, #tpu.memory_space<hbm>> -> memref<80000x128xf32, #tpu.memory_space<hbm>>
      tpu.wait_indirect_dma semaphore(%arg11 : memref<!tpu.dma_semaphore, #tpu.memory_space<semaphore_mem>>) src(%dma_wait3A_78 : memref<80000x128xf32, #tpu.memory_space<hbm>>) dst(%arg9 : memref<125x128xf32, #tpu.memory_space<vmem>>)
      "tpu.region"() ({
        %run_scoped3A = tpu.sem_alloc : memref<!tpu.dma_semaphore, #tpu.memory_space<semaphore_mem>>
        %dma_start3A_79 = arith.constant 0 : i32
        %dma_start3A_80 = tpu.memref_slice %arg8[%scan3A_68, %dma_start3A_79] : memref<80x125xi32, #tpu.memory_space<vmem>> -> memref<1x125xi32, #tpu.memory_space<vmem>>
        %dma_start3A_81 = tpu.memref_squeeze %dma_start3A_80 : memref<1x125xi32, #tpu.memory_space<vmem>> -> memref<125xi32, #tpu.memory_space<vmem>>
        %dma_start3A_82 = arith.constant 0 : i32
        %dma_start3A_83 = arith.constant 0 : i32
        %dma_start3A_84 = tpu.memref_slice %arg10[%dma_start3A_82, %dma_start3A_83] : memref<10240x128xf32, #tpu.memory_space<vmem_shared>> -> memref<10240x128xf32, #tpu.memory_space<vmem_shared>>
        tpu.enqueue_indirect_dma source(%arg9 : memref<125x128xf32, #tpu.memory_space<vmem>>) target(%dma_start3A_84 : memref<10240x128xf32, #tpu.memory_space<vmem_shared>>) offsets(%dma_start3A_81 : memref<125xi32, #tpu.memory_space<vmem>>) semaphore(%run_scoped3A : memref<!tpu.dma_semaphore, #tpu.memory_space<semaphore_mem>>) {add = true}
        %dma_wait3A_85 = arith.constant 0 : i32
        %dma_wait3A_86 = tpu.memref_slice %arg8[%scan3A_68, %dma_wait3A_85] : memref<80x125xi32, #tpu.memory_space<vmem>> -> memref<1x125xi32, #tpu.memory_space<vmem>>
        %dma_wait3A_87 = tpu.memref_squeeze %dma_wait3A_86 : memref<1x125xi32, #tpu.memory_space<vmem>> -> memref<125xi32, #tpu.memory_space<vmem>>
        %dma_wait3A_88 = arith.constant 0 : i32
        %dma_wait3A_89 = arith.constant 0 : i32
        %dma_wait3A_90 = tpu.memref_slice %arg10[%dma_wait3A_88, %dma_wait3A_89] : memref<10240x128xf32, #tpu.memory_space<vmem_shared>> -> memref<10240x128xf32, #tpu.memory_space<vmem_shared>>
        tpu.wait_indirect_dma semaphore(%run_scoped3A : memref<!tpu.dma_semaphore, #tpu.memory_space<semaphore_mem>>) src(%arg9 : memref<125x128xf32, #tpu.memory_space<vmem>>) dst(%dma_wait3A_90 : memref<10240x128xf32, #tpu.memory_space<vmem_shared>>)
        tpu.yield
      }) : () -> ()
    }
    %scan3A_62 = arith.constant 80 : i32
    %barrier3A_63 = arith.constant 0 : index
    tpu.barrier barrier_id(%barrier3A_63)
    %mul3A_64 = arith.constant 640 : i32
    %mul3A_65 = arith.muli %arg1, %mul3A_64 : i32
    %mul3A_66 = arith.constant 640 : i32
    %mul3A_67 = arith.muli %arg1, %mul3A_66 : i32
    "tpu.region"() ({
      %run_scoped3A = tpu.sem_alloc : memref<!tpu.dma_semaphore, #tpu.memory_space<semaphore_mem>>
      %dma_start3A = arith.constant 0 : i32
      %dma_start3A_68 = tpu.memref_slice %arg6[%add3A_53, %mul3A_67, %dma_start3A] : memref<8x10240x128xf32, #tpu.memory_space<hbm>> -> memref<1x640x128xf32, #tpu.memory_space<hbm>>
      %dma_start3A_69 = tpu.memref_squeeze %dma_start3A_68 : memref<1x640x128xf32, #tpu.memory_space<hbm>> -> memref<640x128xf32, #tpu.memory_space<hbm>>
      %dma_start3A_70 = arith.constant 0 : i32
      %dma_start3A_71 = tpu.memref_slice %arg10[%mul3A_65, %dma_start3A_70] : memref<10240x128xf32, #tpu.memory_space<vmem_shared>> -> memref<640x128xf32, #tpu.memory_space<vmem_shared>>
      tpu.enqueue_dma source(%dma_start3A_71 : memref<640x128xf32, #tpu.memory_space<vmem_shared>>) target(%dma_start3A_69 : memref<640x128xf32, #tpu.memory_space<hbm>>) target_semaphore(%run_scoped3A : memref<!tpu.dma_semaphore, #tpu.memory_space<semaphore_mem>>)
      %dma_wait3A = arith.constant 0 : i32
      %dma_wait3A_72 = tpu.memref_slice %arg6[%add3A_53, %mul3A_67, %dma_wait3A] : memref<8x10240x128xf32, #tpu.memory_space<hbm>> -> memref<1x640x128xf32, #tpu.memory_space<hbm>>
      %dma_wait3A_73 = tpu.memref_squeeze %dma_wait3A_72 : memref<1x640x128xf32, #tpu.memory_space<hbm>> -> memref<640x128xf32, #tpu.memory_space<hbm>>
      %dma_wait3A_74 = arith.constant 0 : i32
      %dma_wait3A_75 = tpu.memref_slice %arg10[%mul3A_65, %dma_wait3A_74] : memref<10240x128xf32, #tpu.memory_space<vmem_shared>> -> memref<640x128xf32, #tpu.memory_space<vmem_shared>>
      tpu.wait_dma2 semaphore(%run_scoped3A : memref<!tpu.dma_semaphore, #tpu.memory_space<semaphore_mem>>) src(%dma_wait3A_75 : memref<640x128xf32, #tpu.memory_space<vmem_shared>>) dst(%dma_wait3A_73 : memref<640x128xf32, #tpu.memory_space<hbm>>)
      tpu.yield
    }) : () -> ()
    return
  }
}

#map = affine_map<(d0, d1) -> (0, 0, 0, 0)>
#map1 = affine_map<(d0, d1) -> (0, 0)>
#map2 = affine_map<(d0, d1) -> (0, 0, 0)>
module attributes {stable_mosaic.version = 14 : i64} {
  func.func @_deg_body(%arg0: i32, %arg1: i32, %arg2: memref<2x16x40x125xi32, #tpu.memory_space<hbm>>, %arg3: memref<125x128xf32, #tpu.memory_space<hbm>>, %arg4: memref<640x128xf32, #tpu.memory_space<hbm>>, %arg5: memref<2x10240x128xf32, #tpu.memory_space<hbm>>, %arg6: memref<125x128xf32, #tpu.memory_space<vmem>>, %arg7: memref<40x125xi32, #tpu.memory_space<vmem>>, %arg8: memref<10240x128xf32, #tpu.memory_space<vmem_shared>>, %arg9: memref<!tpu.dma_semaphore, #tpu.memory_space<semaphore_mem>>) attributes {dimension_semantics = [#tpu.dimension_semantics<core_parallel>, #tpu.dimension_semantics<subcore_parallel>], iteration_bounds = array<i64: 2, 16>, scalar_prefetch = 0 : i64, scratch_operands = 4 : i64, tpu.core_type = #tpu.core_type<sc_vector_subcore>, window_params = [{transform_indices = #map}, {transform_indices = #map1}, {transform_indices = #map1}, {transform_indices = #map2}]} {
    "tpu.region"() ({
      %run_scoped3A = tpu.sem_alloc : memref<!tpu.dma_semaphore, #tpu.memory_space<semaphore_mem>>
      tpu.enqueue_dma source(%arg3 : memref<125x128xf32, #tpu.memory_space<hbm>>) target(%arg6 : memref<125x128xf32, #tpu.memory_space<vmem>>) target_semaphore(%run_scoped3A : memref<!tpu.dma_semaphore, #tpu.memory_space<semaphore_mem>>)
      tpu.wait_dma2 semaphore(%run_scoped3A : memref<!tpu.dma_semaphore, #tpu.memory_space<semaphore_mem>>) src(%arg3 : memref<125x128xf32, #tpu.memory_space<hbm>>) dst(%arg6 : memref<125x128xf32, #tpu.memory_space<vmem>>)
      tpu.yield
    }) : () -> ()
    "tpu.region"() ({
      %run_scoped3A = tpu.sem_alloc : memref<!tpu.dma_semaphore, #tpu.memory_space<semaphore_mem>>
      %dma_start3A = arith.constant 0 : i32
      %dma_start3A_11 = arith.constant 0 : i32
      %dma_start3A_12 = tpu.memref_slice %arg2[%arg0, %arg1, %dma_start3A, %dma_start3A_11] : memref<2x16x40x125xi32, #tpu.memory_space<hbm>> -> memref<1x1x40x125xi32, #tpu.memory_space<hbm>>
      %dma_start3A_13 = tpu.memref_squeeze %dma_start3A_12 : memref<1x1x40x125xi32, #tpu.memory_space<hbm>> -> memref<40x125xi32, #tpu.memory_space<hbm>>
      %dma_start3A_14 = arith.constant 0 : i32
      %dma_start3A_15 = arith.constant 0 : i32
      %dma_start3A_16 = tpu.memref_slice %arg2[%arg0, %arg1, %dma_start3A_14, %dma_start3A_15] : memref<2x16x40x125xi32, #tpu.memory_space<hbm>> -> memref<1x1x40x125xi32, #tpu.memory_space<hbm>>
      %dma_start3A_17 = tpu.memref_squeeze %dma_start3A_16 : memref<1x1x40x125xi32, #tpu.memory_space<hbm>> -> memref<40x125xi32, #tpu.memory_space<hbm>>
      tpu.enqueue_dma source(%dma_start3A_17 : memref<40x125xi32, #tpu.memory_space<hbm>>) target(%arg7 : memref<40x125xi32, #tpu.memory_space<vmem>>) target_semaphore(%run_scoped3A : memref<!tpu.dma_semaphore, #tpu.memory_space<semaphore_mem>>)
      %dma_wait3A = arith.constant 0 : i32
      %dma_wait3A_18 = arith.constant 0 : i32
      %dma_wait3A_19 = tpu.memref_slice %arg2[%arg0, %arg1, %dma_wait3A, %dma_wait3A_18] : memref<2x16x40x125xi32, #tpu.memory_space<hbm>> -> memref<1x1x40x125xi32, #tpu.memory_space<hbm>>
      %dma_wait3A_20 = tpu.memref_squeeze %dma_wait3A_19 : memref<1x1x40x125xi32, #tpu.memory_space<hbm>> -> memref<40x125xi32, #tpu.memory_space<hbm>>
      %dma_wait3A_21 = arith.constant 0 : i32
      %dma_wait3A_22 = arith.constant 0 : i32
      %dma_wait3A_23 = tpu.memref_slice %arg2[%arg0, %arg1, %dma_wait3A_21, %dma_wait3A_22] : memref<2x16x40x125xi32, #tpu.memory_space<hbm>> -> memref<1x1x40x125xi32, #tpu.memory_space<hbm>>
      %dma_wait3A_24 = tpu.memref_squeeze %dma_wait3A_23 : memref<1x1x40x125xi32, #tpu.memory_space<hbm>> -> memref<40x125xi32, #tpu.memory_space<hbm>>
      tpu.wait_dma2 semaphore(%run_scoped3A : memref<!tpu.dma_semaphore, #tpu.memory_space<semaphore_mem>>) src(%dma_wait3A_24 : memref<40x125xi32, #tpu.memory_space<hbm>>) dst(%arg7 : memref<40x125xi32, #tpu.memory_space<vmem>>)
      tpu.yield
    }) : () -> ()
    %mul3A = arith.constant 640 : i32
    %mul3A_0 = arith.muli %arg1, %mul3A : i32
    "tpu.region"() ({
      %run_scoped3A = tpu.sem_alloc : memref<!tpu.dma_semaphore, #tpu.memory_space<semaphore_mem>>
      %dma_start3A = arith.constant 0 : i32
      %dma_start3A_11 = tpu.memref_slice %arg8[%mul3A_0, %dma_start3A] : memref<10240x128xf32, #tpu.memory_space<vmem_shared>> -> memref<640x128xf32, #tpu.memory_space<vmem_shared>>
      tpu.enqueue_dma source(%arg4 : memref<640x128xf32, #tpu.memory_space<hbm>>) target(%dma_start3A_11 : memref<640x128xf32, #tpu.memory_space<vmem_shared>>) target_semaphore(%run_scoped3A : memref<!tpu.dma_semaphore, #tpu.memory_space<semaphore_mem>>)
      %dma_wait3A = arith.constant 0 : i32
      %dma_wait3A_12 = tpu.memref_slice %arg8[%mul3A_0, %dma_wait3A] : memref<10240x128xf32, #tpu.memory_space<vmem_shared>> -> memref<640x128xf32, #tpu.memory_space<vmem_shared>>
      tpu.wait_dma2 semaphore(%run_scoped3A : memref<!tpu.dma_semaphore, #tpu.memory_space<semaphore_mem>>) src(%arg4 : memref<640x128xf32, #tpu.memory_space<hbm>>) dst(%dma_wait3A_12 : memref<640x128xf32, #tpu.memory_space<vmem_shared>>)
      tpu.yield
    }) : () -> ()
    %barrier3A = arith.constant 0 : index
    tpu.barrier barrier_id(%barrier3A)
    %scan3A = arith.constant 0 : i32
    %scan3A_1 = arith.constant 0 : i32
    %scan3A_2 = arith.constant 40 : i32
    %scan3A_3 = arith.addi %scan3A_1, %scan3A_2 : i32
    %scan3A_4 = arith.constant 1 : i32
    scf.for %scan3A_11 = %scan3A_1 to %scan3A_3 step %scan3A_4  : i32 {
      "tpu.region"() ({
        %run_scoped3A = tpu.sem_alloc : memref<!tpu.dma_semaphore, #tpu.memory_space<semaphore_mem>>
        %dma_start3A = arith.constant 0 : i32
        %dma_start3A_12 = tpu.memref_slice %arg7[%scan3A_11, %dma_start3A] : memref<40x125xi32, #tpu.memory_space<vmem>> -> memref<1x125xi32, #tpu.memory_space<vmem>>
        %dma_start3A_13 = tpu.memref_squeeze %dma_start3A_12 : memref<1x125xi32, #tpu.memory_space<vmem>> -> memref<125xi32, #tpu.memory_space<vmem>>
        %dma_start3A_14 = arith.constant 0 : i32
        %dma_start3A_15 = arith.constant 0 : i32
        %dma_start3A_16 = tpu.memref_slice %arg8[%dma_start3A_14, %dma_start3A_15] : memref<10240x128xf32, #tpu.memory_space<vmem_shared>> -> memref<10240x128xf32, #tpu.memory_space<vmem_shared>>
        tpu.enqueue_indirect_dma source(%arg6 : memref<125x128xf32, #tpu.memory_space<vmem>>) target(%dma_start3A_16 : memref<10240x128xf32, #tpu.memory_space<vmem_shared>>) offsets(%dma_start3A_13 : memref<125xi32, #tpu.memory_space<vmem>>) semaphore(%run_scoped3A : memref<!tpu.dma_semaphore, #tpu.memory_space<semaphore_mem>>) {add = true}
        %dma_wait3A = arith.constant 0 : i32
        %dma_wait3A_17 = tpu.memref_slice %arg7[%scan3A_11, %dma_wait3A] : memref<40x125xi32, #tpu.memory_space<vmem>> -> memref<1x125xi32, #tpu.memory_space<vmem>>
        %dma_wait3A_18 = tpu.memref_squeeze %dma_wait3A_17 : memref<1x125xi32, #tpu.memory_space<vmem>> -> memref<125xi32, #tpu.memory_space<vmem>>
        %dma_wait3A_19 = arith.constant 0 : i32
        %dma_wait3A_20 = arith.constant 0 : i32
        %dma_wait3A_21 = tpu.memref_slice %arg8[%dma_wait3A_19, %dma_wait3A_20] : memref<10240x128xf32, #tpu.memory_space<vmem_shared>> -> memref<10240x128xf32, #tpu.memory_space<vmem_shared>>
        tpu.wait_indirect_dma semaphore(%run_scoped3A : memref<!tpu.dma_semaphore, #tpu.memory_space<semaphore_mem>>) src(%arg6 : memref<125x128xf32, #tpu.memory_space<vmem>>) dst(%dma_wait3A_21 : memref<10240x128xf32, #tpu.memory_space<vmem_shared>>)
        tpu.yield
      }) : () -> ()
    }
    %scan3A_5 = arith.constant 40 : i32
    %barrier3A_6 = arith.constant 0 : index
    tpu.barrier barrier_id(%barrier3A_6)
    %mul3A_7 = arith.constant 640 : i32
    %mul3A_8 = arith.muli %arg1, %mul3A_7 : i32
    %mul3A_9 = arith.constant 640 : i32
    %mul3A_10 = arith.muli %arg1, %mul3A_9 : i32
    "tpu.region"() ({
      %run_scoped3A = tpu.sem_alloc : memref<!tpu.dma_semaphore, #tpu.memory_space<semaphore_mem>>
      %dma_start3A = arith.constant 0 : i32
      %dma_start3A_11 = tpu.memref_slice %arg5[%arg0, %mul3A_10, %dma_start3A] : memref<2x10240x128xf32, #tpu.memory_space<hbm>> -> memref<1x640x128xf32, #tpu.memory_space<hbm>>
      %dma_start3A_12 = tpu.memref_squeeze %dma_start3A_11 : memref<1x640x128xf32, #tpu.memory_space<hbm>> -> memref<640x128xf32, #tpu.memory_space<hbm>>
      %dma_start3A_13 = arith.constant 0 : i32
      %dma_start3A_14 = tpu.memref_slice %arg8[%mul3A_8, %dma_start3A_13] : memref<10240x128xf32, #tpu.memory_space<vmem_shared>> -> memref<640x128xf32, #tpu.memory_space<vmem_shared>>
      tpu.enqueue_dma source(%dma_start3A_14 : memref<640x128xf32, #tpu.memory_space<vmem_shared>>) target(%dma_start3A_12 : memref<640x128xf32, #tpu.memory_space<hbm>>) target_semaphore(%run_scoped3A : memref<!tpu.dma_semaphore, #tpu.memory_space<semaphore_mem>>)
      %dma_wait3A = arith.constant 0 : i32
      %dma_wait3A_15 = tpu.memref_slice %arg5[%arg0, %mul3A_10, %dma_wait3A] : memref<2x10240x128xf32, #tpu.memory_space<hbm>> -> memref<1x640x128xf32, #tpu.memory_space<hbm>>
      %dma_wait3A_16 = tpu.memref_squeeze %dma_wait3A_15 : memref<1x640x128xf32, #tpu.memory_space<hbm>> -> memref<640x128xf32, #tpu.memory_space<hbm>>
      %dma_wait3A_17 = arith.constant 0 : i32
      %dma_wait3A_18 = tpu.memref_slice %arg8[%mul3A_8, %dma_wait3A_17] : memref<10240x128xf32, #tpu.memory_space<vmem_shared>> -> memref<640x128xf32, #tpu.memory_space<vmem_shared>>
      tpu.wait_dma2 semaphore(%run_scoped3A : memref<!tpu.dma_semaphore, #tpu.memory_space<semaphore_mem>>) src(%dma_wait3A_18 : memref<640x128xf32, #tpu.memory_space<vmem_shared>>) dst(%dma_wait3A_16 : memref<640x128xf32, #tpu.memory_space<hbm>>)
      tpu.yield
    }) : () -> ()
    return
  }
}

module attributes {stable_mosaic.version = 14 : i64} {
  func.func @_mm_scale_body(%arg0: i32, %arg1: memref<4x1000x256xf32, #tpu.memory_space<vmem>>, %arg2: memref<2x1000x128xf32, #tpu.memory_space<vmem>>, %arg3: memref<256x256xf32, #tpu.memory_space<vmem>>, %arg4: memref<8x1000x128xf32, #tpu.memory_space<vmem>>, %arg5: memref<1000x1xf32, #tpu.memory_space<vmem>>) attributes {dimension_semantics = [#tpu.dimension_semantics<arbitrary>], iteration_bounds = array<i64: 10>, scalar_prefetch = 0 : i64, scratch_operands = 0 : i64, tpu.core_type = #tpu.core_type<tc>, window_params = [{transform_indices = @transform_0, window_bounds = array<i64: 4, 1000, 256>}, {transform_indices = @transform_1, window_bounds = array<i64: 2, 1000, 128>}, {pipeline_mode = #tpu.pipeline_mode<synchronous>, transform_indices = @transform_2, window_bounds = array<i64: 256, 256>}, {transform_indices = @transform_3, window_bounds = array<i64: 8, 1000, 128>}, {transform_indices = @transform_4, window_bounds = array<i64: 1000, 1>}]} {
    %get3A = arith.constant 0 : index
    %get3A_0 = arith.constant 0 : index
    %get3A_1 = arith.constant 0 : index
    %get3A_2 = vector.load %arg2[%get3A, %get3A_0, %get3A_1] : memref<2x1000x128xf32, #tpu.memory_space<vmem>>, vector<1x1000x1xf32>
    %get3A_3 = vector.shape_cast %get3A_2 : vector<1x1000x1xf32> to vector<1000x1xf32>
    %get3A_4 = arith.constant 1 : index
    %get3A_5 = arith.constant 0 : index
    %get3A_6 = arith.constant 0 : index
    %get3A_7 = vector.load %arg2[%get3A_4, %get3A_5, %get3A_6] : memref<2x1000x128xf32, #tpu.memory_space<vmem>>, vector<1x1000x1xf32>
    %get3A_8 = vector.shape_cast %get3A_7 : vector<1x1000x1xf32> to vector<1000x1xf32>
    %add3A = arith.addf %get3A_3, %get3A_8 : vector<1000x1xf32>
    %add3A_9 = arith.constant 1.000000e+00 : f32
    %add3A_10 = vector.broadcast %add3A_9 : f32 to vector<1000x1xf32>
    %add3A_11 = arith.addf %add3A, %add3A_10 : vector<1000x1xf32>
    %swap3A = arith.constant 0 : index
    %swap3A_12 = arith.constant 0 : index
    %swap3A_13 = vector.load %arg5[%swap3A, %swap3A_12] : memref<1000x1xf32, #tpu.memory_space<vmem>>, vector<1000x1xf32>
    tpu.vector_store %arg5[%swap3A, %swap3A_12], %add3A_11 {strides = array<i32>} : memref<1000x1xf32, #tpu.memory_space<vmem>>, vector<1000x1xf32>,
    %max3A = arith.constant 9.99999996E-13 : f32
    %max3A_14 = vector.broadcast %max3A : f32 to vector<1000x1xf32>
    %max3A_15 = arith.maximumf %add3A_11, %max3A_14 : vector<1000x1xf32>
    %rsqrt3A = math.rsqrt %max3A_15 : vector<1000x1xf32>
    %get3A_16 = arith.constant 0 : index
    %get3A_17 = arith.constant 0 : index
    %get3A_18 = vector.load %arg3[%get3A_16, %get3A_17] : memref<256x256xf32, #tpu.memory_space<vmem>>, vector<256x256xf32>
    %get3A_19 = arith.constant 0 : index
    %get3A_20 = arith.constant 0 : index
    %get3A_21 = arith.constant 0 : index
    %get3A_22 = vector.load %arg1[%get3A_19, %get3A_20, %get3A_21] : memref<4x1000x256xf32, #tpu.memory_space<vmem>>, vector<1x1000x256xf32>
    %get3A_23 = vector.shape_cast %get3A_22 : vector<1x1000x256xf32> to vector<1000x256xf32>
    %dot_general3A = arith.constant dense<0.000000e+00> : vector<1000x256xf32>
    %dot_general3A_24 = tpu.matmul %get3A_23, %get3A_18, %dot_general3A {dimension_numbers = #tpu.dot_dimension_numbers<[1], [0], [0], [1], [0, 0, 1, 1], [], []>, transpose_lhs_hint = false} : vector<1000x256xf32>, vector<256x256xf32>, vector<1000x256xf32> -> vector<1000x256xf32>
    %mul3A = vector.broadcast %rsqrt3A : vector<1000x1xf32> to vector<1000x256xf32>
    %mul3A_25 = arith.mulf %dot_general3A_24, %mul3A : vector<1000x256xf32>
    %slice3A = vector.extract_strided_slice %mul3A_25 {offsets = [0, 0], sizes = [1000, 128], strides = [1, 1]} : vector<1000x256xf32> to vector<1000x128xf32>
    %swap3A_26 = arith.constant 0 : index
    %swap3A_27 = arith.constant 0 : index
    %swap3A_28 = arith.constant 0 : index
    %swap3A_29 = vector.load %arg4[%swap3A_26, %swap3A_27, %swap3A_28] : memref<8x1000x128xf32, #tpu.memory_space<vmem>>, vector<1x1000x128xf32>
    %swap3A_30 = vector.shape_cast %swap3A_29 : vector<1x1000x128xf32> to vector<1000x128xf32>
    %swap3A_31 = vector.shape_cast %slice3A : vector<1000x128xf32> to vector<1x1000x128xf32>
    tpu.vector_store %arg4[%swap3A_26, %swap3A_27, %swap3A_28], %swap3A_31 {strides = array<i32>} : memref<8x1000x128xf32, #tpu.memory_space<vmem>>, vector<1x1000x128xf32>,
    %slice3A_32 = vector.extract_strided_slice %mul3A_25 {offsets = [0, 128], sizes = [1000, 128], strides = [1, 1]} : vector<1000x256xf32> to vector<1000x128xf32>
    %swap3A_33 = arith.constant 1 : index
    %swap3A_34 = arith.constant 0 : index
    %swap3A_35 = arith.constant 0 : index
    %swap3A_36 = vector.load %arg4[%swap3A_33, %swap3A_34, %swap3A_35] : memref<8x1000x128xf32, #tpu.memory_space<vmem>>, vector<1x1000x128xf32>
    %swap3A_37 = vector.shape_cast %swap3A_36 : vector<1x1000x128xf32> to vector<1000x128xf32>
    %swap3A_38 = vector.shape_cast %slice3A_32 : vector<1000x128xf32> to vector<1x1000x128xf32>
    tpu.vector_store %arg4[%swap3A_33, %swap3A_34, %swap3A_35], %swap3A_38 {strides = array<i32>} : memref<8x1000x128xf32, #tpu.memory_space<vmem>>, vector<1x1000x128xf32>,
    %get3A_39 = arith.constant 1 : index
    %get3A_40 = arith.constant 0 : index
    %get3A_41 = arith.constant 0 : index
    %get3A_42 = vector.load %arg1[%get3A_39, %get3A_40, %get3A_41] : memref<4x1000x256xf32, #tpu.memory_space<vmem>>, vector<1x1000x256xf32>
    %get3A_43 = vector.shape_cast %get3A_42 : vector<1x1000x256xf32> to vector<1000x256xf32>
    %dot_general3A_44 = arith.constant dense<0.000000e+00> : vector<1000x256xf32>
    %dot_general3A_45 = tpu.matmul %get3A_43, %get3A_18, %dot_general3A_44 {dimension_numbers = #tpu.dot_dimension_numbers<[1], [0], [0], [1], [0, 0, 1, 1], [], []>, transpose_lhs_hint = false} : vector<1000x256xf32>, vector<256x256xf32>, vector<1000x256xf32> -> vector<1000x256xf32>
    %mul3A_46 = vector.broadcast %rsqrt3A : vector<1000x1xf32> to vector<1000x256xf32>
    %mul3A_47 = arith.mulf %dot_general3A_45, %mul3A_46 : vector<1000x256xf32>
    %slice3A_48 = vector.extract_strided_slice %mul3A_47 {offsets = [0, 0], sizes = [1000, 128], strides = [1, 1]} : vector<1000x256xf32> to vector<1000x128xf32>
    %swap3A_49 = arith.constant 2 : index
    %swap3A_50 = arith.constant 0 : index
    %swap3A_51 = arith.constant 0 : index
    %swap3A_52 = vector.load %arg4[%swap3A_49, %swap3A_50, %swap3A_51] : memref<8x1000x128xf32, #tpu.memory_space<vmem>>, vector<1x1000x128xf32>
    %swap3A_53 = vector.shape_cast %swap3A_52 : vector<1x1000x128xf32> to vector<1000x128xf32>
    %swap3A_54 = vector.shape_cast %slice3A_48 : vector<1000x128xf32> to vector<1x1000x128xf32>
    tpu.vector_store %arg4[%swap3A_49, %swap3A_50, %swap3A_51], %swap3A_54 {strides = array<i32>} : memref<8x1000x128xf32, #tpu.memory_space<vmem>>, vector<1x1000x128xf32>,
    %slice3A_55 = vector.extract_strided_slice %mul3A_47 {offsets = [0, 128], sizes = [1000, 128], strides = [1, 1]} : vector<1000x256xf32> to vector<1000x128xf32>
    %swap3A_56 = arith.constant 3 : index
    %swap3A_57 = arith.constant 0 : index
    %swap3A_58 = arith.constant 0 : index
    %swap3A_59 = vector.load %arg4[%swap3A_56, %swap3A_57, %swap3A_58] : memref<8x1000x128xf32, #tpu.memory_space<vmem>>, vector<1x1000x128xf32>
    %swap3A_60 = vector.shape_cast %swap3A_59 : vector<1x1000x128xf32> to vector<1000x128xf32>
    %swap3A_61 = vector.shape_cast %slice3A_55 : vector<1000x128xf32> to vector<1x1000x128xf32>
    tpu.vector_store %arg4[%swap3A_56, %swap3A_57, %swap3A_58], %swap3A_61 {strides = array<i32>} : memref<8x1000x128xf32, #tpu.memory_space<vmem>>, vector<1x1000x128xf32>,
    %get3A_62 = arith.constant 2 : index
    %get3A_63 = arith.constant 0 : index
    %get3A_64 = arith.constant 0 : index
    %get3A_65 = vector.load %arg1[%get3A_62, %get3A_63, %get3A_64] : memref<4x1000x256xf32, #tpu.memory_space<vmem>>, vector<1x1000x256xf32>
    %get3A_66 = vector.shape_cast %get3A_65 : vector<1x1000x256xf32> to vector<1000x256xf32>
    %dot_general3A_67 = arith.constant dense<0.000000e+00> : vector<1000x256xf32>
    %dot_general3A_68 = tpu.matmul %get3A_66, %get3A_18, %dot_general3A_67 {dimension_numbers = #tpu.dot_dimension_numbers<[1], [0], [0], [1], [0, 0, 1, 1], [], []>, transpose_lhs_hint = false} : vector<1000x256xf32>, vector<256x256xf32>, vector<1000x256xf32> -> vector<1000x256xf32>
    %mul3A_69 = vector.broadcast %rsqrt3A : vector<1000x1xf32> to vector<1000x256xf32>
    %mul3A_70 = arith.mulf %dot_general3A_68, %mul3A_69 : vector<1000x256xf32>
    %slice3A_71 = vector.extract_strided_slice %mul3A_70 {offsets = [0, 0], sizes = [1000, 128], strides = [1, 1]} : vector<1000x256xf32> to vector<1000x128xf32>
    %swap3A_72 = arith.constant 4 : index
    %swap3A_73 = arith.constant 0 : index
    %swap3A_74 = arith.constant 0 : index
    %swap3A_75 = vector.load %arg4[%swap3A_72, %swap3A_73, %swap3A_74] : memref<8x1000x128xf32, #tpu.memory_space<vmem>>, vector<1x1000x128xf32>
    %swap3A_76 = vector.shape_cast %swap3A_75 : vector<1x1000x128xf32> to vector<1000x128xf32>
    %swap3A_77 = vector.shape_cast %slice3A_71 : vector<1000x128xf32> to vector<1x1000x128xf32>
    tpu.vector_store %arg4[%swap3A_72, %swap3A_73, %swap3A_74], %swap3A_77 {strides = array<i32>} : memref<8x1000x128xf32, #tpu.memory_space<vmem>>, vector<1x1000x128xf32>,
    %slice3A_78 = vector.extract_strided_slice %mul3A_70 {offsets = [0, 128], sizes = [1000, 128], strides = [1, 1]} : vector<1000x256xf32> to vector<1000x128xf32>
    %swap3A_79 = arith.constant 5 : index
    %swap3A_80 = arith.constant 0 : index
    %swap3A_81 = arith.constant 0 : index
    %swap3A_82 = vector.load %arg4[%swap3A_79, %swap3A_80, %swap3A_81] : memref<8x1000x128xf32, #tpu.memory_space<vmem>>, vector<1x1000x128xf32>
    %swap3A_83 = vector.shape_cast %swap3A_82 : vector<1x1000x128xf32> to vector<1000x128xf32>
    %swap3A_84 = vector.shape_cast %slice3A_78 : vector<1000x128xf32> to vector<1x1000x128xf32>
    tpu.vector_store %arg4[%swap3A_79, %swap3A_80, %swap3A_81], %swap3A_84 {strides = array<i32>} : memref<8x1000x128xf32, #tpu.memory_space<vmem>>, vector<1x1000x128xf32>,
    %get3A_85 = arith.constant 3 : index
    %get3A_86 = arith.constant 0 : index
    %get3A_87 = arith.constant 0 : index
    %get3A_88 = vector.load %arg1[%get3A_85, %get3A_86, %get3A_87] : memref<4x1000x256xf32, #tpu.memory_space<vmem>>, vector<1x1000x256xf32>
    %get3A_89 = vector.shape_cast %get3A_88 : vector<1x1000x256xf32> to vector<1000x256xf32>
    %dot_general3A_90 = arith.constant dense<0.000000e+00> : vector<1000x256xf32>
    %dot_general3A_91 = tpu.matmul %get3A_89, %get3A_18, %dot_general3A_90 {dimension_numbers = #tpu.dot_dimension_numbers<[1], [0], [0], [1], [0, 0, 1, 1], [], []>, transpose_lhs_hint = false} : vector<1000x256xf32>, vector<256x256xf32>, vector<1000x256xf32> -> vector<1000x256xf32>
    %mul3A_92 = vector.broadcast %rsqrt3A : vector<1000x1xf32> to vector<1000x256xf32>
    %mul3A_93 = arith.mulf %dot_general3A_91, %mul3A_92 : vector<1000x256xf32>
    %slice3A_94 = vector.extract_strided_slice %mul3A_93 {offsets = [0, 0], sizes = [1000, 128], strides = [1, 1]} : vector<1000x256xf32> to vector<1000x128xf32>
    %swap3A_95 = arith.constant 6 : index
    %swap3A_96 = arith.constant 0 : index
    %swap3A_97 = arith.constant 0 : index
    %swap3A_98 = vector.load %arg4[%swap3A_95, %swap3A_96, %swap3A_97] : memref<8x1000x128xf32, #tpu.memory_space<vmem>>, vector<1x1000x128xf32>
    %swap3A_99 = vector.shape_cast %swap3A_98 : vector<1x1000x128xf32> to vector<1000x128xf32>
    %swap3A_100 = vector.shape_cast %slice3A_94 : vector<1000x128xf32> to vector<1x1000x128xf32>
    tpu.vector_store %arg4[%swap3A_95, %swap3A_96, %swap3A_97], %swap3A_100 {strides = array<i32>} : memref<8x1000x128xf32, #tpu.memory_space<vmem>>, vector<1x1000x128xf32>,
    %slice3A_101 = vector.extract_strided_slice %mul3A_93 {offsets = [0, 128], sizes = [1000, 128], strides = [1, 1]} : vector<1000x256xf32> to vector<1000x128xf32>
    %swap3A_102 = arith.constant 7 : index
    %swap3A_103 = arith.constant 0 : index
    %swap3A_104 = arith.constant 0 : index
    %swap3A_105 = vector.load %arg4[%swap3A_102, %swap3A_103, %swap3A_104] : memref<8x1000x128xf32, #tpu.memory_space<vmem>>, vector<1x1000x128xf32>
    %swap3A_106 = vector.shape_cast %swap3A_105 : vector<1x1000x128xf32> to vector<1000x128xf32>
    %swap3A_107 = vector.shape_cast %slice3A_101 : vector<1000x128xf32> to vector<1x1000x128xf32>
    tpu.vector_store %arg4[%swap3A_102, %swap3A_103, %swap3A_104], %swap3A_107 {strides = array<i32>} : memref<8x1000x128xf32, #tpu.memory_space<vmem>>, vector<1x1000x128xf32>,
    return
  }
  func.func @transform_0(%arg0: i32) -> (i32, i32, i32) {
    %c0_i32 = arith.constant 0 : i32
    %c0_i32_0 = arith.constant 0 : i32
    %c0_i32_1 = arith.constant 0 : i32
    return %c0_i32, %arg0, %c0_i32_0 : i32, i32, i32
  }
  func.func @transform_1(%arg0: i32) -> (i32, i32, i32) {
    %c0_i32 = arith.constant 0 : i32
    %c0_i32_0 = arith.constant 0 : i32
    %c0_i32_1 = arith.constant 0 : i32
    return %c0_i32, %arg0, %c0_i32_0 : i32, i32, i32
  }
  func.func @transform_2(%arg0: i32) -> (i32, i32) {
    %c0_i32 = arith.constant 0 : i32
    %c0_i32_0 = arith.constant 0 : i32
    %c0_i32_1 = arith.constant 0 : i32
    return %c0_i32, %c0_i32_0 : i32, i32
  }
  func.func @transform_3(%arg0: i32) -> (i32, i32, i32) {
    %c0_i32 = arith.constant 0 : i32
    %c0_i32_0 = arith.constant 0 : i32
    %c0_i32_1 = arith.constant 0 : i32
    return %c0_i32, %arg0, %c0_i32_0 : i32, i32, i32
  }
  func.func @transform_4(%arg0: i32) -> (i32, i32) {
    %c0_i32 = arith.constant 0 : i32
    %c0_i32_0 = arith.constant 0 : i32
    return %arg0, %c0_i32 : i32, i32
  }
}

module attributes {stable_mosaic.version = 14 : i64} {
  func.func @_final_body(%arg0: i32, %arg1: memref<8x1000x128xf32, #tpu.memory_space<vmem>>, %arg2: memref<8x1000x128xf32, #tpu.memory_space<vmem>>, %arg3: memref<1000x1xf32, #tpu.memory_space<vmem>>, %arg4: memref<1000x256xf32, #tpu.memory_space<vmem>>, %arg5: memref<4x1000x256xf32, #tpu.memory_space<vmem>>, %arg6: memref<1000x256xf32, #tpu.memory_space<vmem>>) attributes {dimension_semantics = [#tpu.dimension_semantics<arbitrary>], iteration_bounds = array<i64: 10>, scalar_prefetch = 0 : i64, scratch_operands = 0 : i64, tpu.core_type = #tpu.core_type<tc>, window_params = [{transform_indices = @transform_0, window_bounds = array<i64: 8, 1000, 128>}, {transform_indices = @transform_1, window_bounds = array<i64: 8, 1000, 128>}, {transform_indices = @transform_2, window_bounds = array<i64: 1000, 1>}, {transform_indices = @transform_3, window_bounds = array<i64: 1000, 256>}, {transform_indices = @transform_4, window_bounds = array<i64: 4, 1000, 256>}, {transform_indices = @transform_5, window_bounds = array<i64: 1000, 256>}]} {
    %get3A = arith.constant 0 : index
    %get3A_0 = arith.constant 0 : index
    %get3A_1 = vector.load %arg3[%get3A, %get3A_0] : memref<1000x1xf32, #tpu.memory_space<vmem>>, vector<1000x1xf32>
    %max3A = arith.constant 9.99999996E-13 : f32
    %max3A_2 = vector.broadcast %max3A : f32 to vector<1000x1xf32>
    %max3A_3 = arith.maximumf %get3A_1, %max3A_2 : vector<1000x1xf32>
    %rsqrt3A = math.rsqrt %max3A_3 : vector<1000x1xf32>
    %get3A_4 = arith.constant 0 : index
    %get3A_5 = arith.constant 0 : index
    %get3A_6 = arith.constant 0 : index
    %get3A_7 = vector.load %arg1[%get3A_4, %get3A_5, %get3A_6] : memref<8x1000x128xf32, #tpu.memory_space<vmem>>, vector<1x1000x128xf32>
    %get3A_8 = vector.shape_cast %get3A_7 : vector<1x1000x128xf32> to vector<1000x128xf32>
    %get3A_9 = arith.constant 1 : index
    %get3A_10 = arith.constant 0 : index
    %get3A_11 = arith.constant 0 : index
    %get3A_12 = vector.load %arg1[%get3A_9, %get3A_10, %get3A_11] : memref<8x1000x128xf32, #tpu.memory_space<vmem>>, vector<1x1000x128xf32>
    %get3A_13 = vector.shape_cast %get3A_12 : vector<1x1000x128xf32> to vector<1000x128xf32>
    %concatenate3A = tpu.concatenate %get3A_8, %get3A_13 in 1 : vector<1000x128xf32>, vector<1000x128xf32> -> vector<1000x256xf32>
    %get3A_14 = arith.constant 0 : index
    %get3A_15 = arith.constant 0 : index
    %get3A_16 = arith.constant 0 : index
    %get3A_17 = vector.load %arg2[%get3A_14, %get3A_15, %get3A_16] : memref<8x1000x128xf32, #tpu.memory_space<vmem>>, vector<1x1000x128xf32>
    %get3A_18 = vector.shape_cast %get3A_17 : vector<1x1000x128xf32> to vector<1000x128xf32>
    %get3A_19 = arith.constant 1 : index
    %get3A_20 = arith.constant 0 : index
    %get3A_21 = arith.constant 0 : index
    %get3A_22 = vector.load %arg2[%get3A_19, %get3A_20, %get3A_21] : memref<8x1000x128xf32, #tpu.memory_space<vmem>>, vector<1x1000x128xf32>
    %get3A_23 = vector.shape_cast %get3A_22 : vector<1x1000x128xf32> to vector<1000x128xf32>
    %concatenate3A_24 = tpu.concatenate %get3A_18, %get3A_23 in 1 : vector<1000x128xf32>, vector<1000x128xf32> -> vector<1000x256xf32>
    %add3A = arith.addf %concatenate3A, %concatenate3A_24 : vector<1000x256xf32>
    %mul3A = vector.broadcast %rsqrt3A : vector<1000x1xf32> to vector<1000x256xf32>
    %mul3A_25 = arith.mulf %add3A, %mul3A : vector<1000x256xf32>
    %get3A_26 = arith.constant 2 : index
    %get3A_27 = arith.constant 0 : index
    %get3A_28 = arith.constant 0 : index
    %get3A_29 = vector.load %arg1[%get3A_26, %get3A_27, %get3A_28] : memref<8x1000x128xf32, #tpu.memory_space<vmem>>, vector<1x1000x128xf32>
    %get3A_30 = vector.shape_cast %get3A_29 : vector<1x1000x128xf32> to vector<1000x128xf32>
    %get3A_31 = arith.constant 3 : index
    %get3A_32 = arith.constant 0 : index
    %get3A_33 = arith.constant 0 : index
    %get3A_34 = vector.load %arg1[%get3A_31, %get3A_32, %get3A_33] : memref<8x1000x128xf32, #tpu.memory_space<vmem>>, vector<1x1000x128xf32>
    %get3A_35 = vector.shape_cast %get3A_34 : vector<1x1000x128xf32> to vector<1000x128xf32>
    %concatenate3A_36 = tpu.concatenate %get3A_30, %get3A_35 in 1 : vector<1000x128xf32>, vector<1000x128xf32> -> vector<1000x256xf32>
    %get3A_37 = arith.constant 2 : index
    %get3A_38 = arith.constant 0 : index
    %get3A_39 = arith.constant 0 : index
    %get3A_40 = vector.load %arg2[%get3A_37, %get3A_38, %get3A_39] : memref<8x1000x128xf32, #tpu.memory_space<vmem>>, vector<1x1000x128xf32>
    %get3A_41 = vector.shape_cast %get3A_40 : vector<1x1000x128xf32> to vector<1000x128xf32>
    %get3A_42 = arith.constant 3 : index
    %get3A_43 = arith.constant 0 : index
    %get3A_44 = arith.constant 0 : index
    %get3A_45 = vector.load %arg2[%get3A_42, %get3A_43, %get3A_44] : memref<8x1000x128xf32, #tpu.memory_space<vmem>>, vector<1x1000x128xf32>
    %get3A_46 = vector.shape_cast %get3A_45 : vector<1x1000x128xf32> to vector<1000x128xf32>
    %concatenate3A_47 = tpu.concatenate %get3A_41, %get3A_46 in 1 : vector<1000x128xf32>, vector<1000x128xf32> -> vector<1000x256xf32>
    %add3A_48 = arith.addf %concatenate3A_36, %concatenate3A_47 : vector<1000x256xf32>
    %mul3A_49 = vector.broadcast %rsqrt3A : vector<1000x1xf32> to vector<1000x256xf32>
    %mul3A_50 = arith.mulf %add3A_48, %mul3A_49 : vector<1000x256xf32>
    %get3A_51 = arith.constant 4 : index
    %get3A_52 = arith.constant 0 : index
    %get3A_53 = arith.constant 0 : index
    %get3A_54 = vector.load %arg1[%get3A_51, %get3A_52, %get3A_53] : memref<8x1000x128xf32, #tpu.memory_space<vmem>>, vector<1x1000x128xf32>
    %get3A_55 = vector.shape_cast %get3A_54 : vector<1x1000x128xf32> to vector<1000x128xf32>
    %get3A_56 = arith.constant 5 : index
    %get3A_57 = arith.constant 0 : index
    %get3A_58 = arith.constant 0 : index
    %get3A_59 = vector.load %arg1[%get3A_56, %get3A_57, %get3A_58] : memref<8x1000x128xf32, #tpu.memory_space<vmem>>, vector<1x1000x128xf32>
    %get3A_60 = vector.shape_cast %get3A_59 : vector<1x1000x128xf32> to vector<1000x128xf32>
    %concatenate3A_61 = tpu.concatenate %get3A_55, %get3A_60 in 1 : vector<1000x128xf32>, vector<1000x128xf32> -> vector<1000x256xf32>
    %get3A_62 = arith.constant 4 : index
    %get3A_63 = arith.constant 0 : index
    %get3A_64 = arith.constant 0 : index
    %get3A_65 = vector.load %arg2[%get3A_62, %get3A_63, %get3A_64] : memref<8x1000x128xf32, #tpu.memory_space<vmem>>, vector<1x1000x128xf32>
    %get3A_66 = vector.shape_cast %get3A_65 : vector<1x1000x128xf32> to vector<1000x128xf32>
    %get3A_67 = arith.constant 5 : index
    %get3A_68 = arith.constant 0 : index
    %get3A_69 = arith.constant 0 : index
    %get3A_70 = vector.load %arg2[%get3A_67, %get3A_68, %get3A_69] : memref<8x1000x128xf32, #tpu.memory_space<vmem>>, vector<1x1000x128xf32>
    %get3A_71 = vector.shape_cast %get3A_70 : vector<1x1000x128xf32> to vector<1000x128xf32>
    %concatenate3A_72 = tpu.concatenate %get3A_66, %get3A_71 in 1 : vector<1000x128xf32>, vector<1000x128xf32> -> vector<1000x256xf32>
    %add3A_73 = arith.addf %concatenate3A_61, %concatenate3A_72 : vector<1000x256xf32>
    %mul3A_74 = vector.broadcast %rsqrt3A : vector<1000x1xf32> to vector<1000x256xf32>
    %mul3A_75 = arith.mulf %add3A_73, %mul3A_74 : vector<1000x256xf32>
    %get3A_76 = arith.constant 6 : index
    %get3A_77 = arith.constant 0 : index
    %get3A_78 = arith.constant 0 : index
    %get3A_79 = vector.load %arg1[%get3A_76, %get3A_77, %get3A_78] : memref<8x1000x128xf32, #tpu.memory_space<vmem>>, vector<1x1000x128xf32>
    %get3A_80 = vector.shape_cast %get3A_79 : vector<1x1000x128xf32> to vector<1000x128xf32>
    %get3A_81 = arith.constant 7 : index
    %get3A_82 = arith.constant 0 : index
    %get3A_83 = arith.constant 0 : index
    %get3A_84 = vector.load %arg1[%get3A_81, %get3A_82, %get3A_83] : memref<8x1000x128xf32, #tpu.memory_space<vmem>>, vector<1x1000x128xf32>
    %get3A_85 = vector.shape_cast %get3A_84 : vector<1x1000x128xf32> to vector<1000x128xf32>
    %concatenate3A_86 = tpu.concatenate %get3A_80, %get3A_85 in 1 : vector<1000x128xf32>, vector<1000x128xf32> -> vector<1000x256xf32>
    %get3A_87 = arith.constant 6 : index
    %get3A_88 = arith.constant 0 : index
    %get3A_89 = arith.constant 0 : index
    %get3A_90 = vector.load %arg2[%get3A_87, %get3A_88, %get3A_89] : memref<8x1000x128xf32, #tpu.memory_space<vmem>>, vector<1x1000x128xf32>
    %get3A_91 = vector.shape_cast %get3A_90 : vector<1x1000x128xf32> to vector<1000x128xf32>
    %get3A_92 = arith.constant 7 : index
    %get3A_93 = arith.constant 0 : index
    %get3A_94 = arith.constant 0 : index
    %get3A_95 = vector.load %arg2[%get3A_92, %get3A_93, %get3A_94] : memref<8x1000x128xf32, #tpu.memory_space<vmem>>, vector<1x1000x128xf32>
    %get3A_96 = vector.shape_cast %get3A_95 : vector<1x1000x128xf32> to vector<1000x128xf32>
    %concatenate3A_97 = tpu.concatenate %get3A_91, %get3A_96 in 1 : vector<1000x128xf32>, vector<1000x128xf32> -> vector<1000x256xf32>
    %add3A_98 = arith.addf %concatenate3A_86, %concatenate3A_97 : vector<1000x256xf32>
    %mul3A_99 = vector.broadcast %rsqrt3A : vector<1000x1xf32> to vector<1000x256xf32>
    %mul3A_100 = arith.mulf %add3A_98, %mul3A_99 : vector<1000x256xf32>
    %add3A_101 = arith.addf %mul3A_25, %mul3A_50 : vector<1000x256xf32>
    %add3A_102 = arith.addf %add3A_101, %mul3A_75 : vector<1000x256xf32>
    %add3A_103 = arith.addf %add3A_102, %mul3A_100 : vector<1000x256xf32>
    %mul3A_104 = arith.constant 2.500000e-02 : f32
    %mul3A_105 = vector.broadcast %mul3A_104 : f32 to vector<1000x256xf32>
    %mul3A_106 = arith.mulf %add3A_103, %mul3A_105 : vector<1000x256xf32>
    %get3A_107 = arith.constant 0 : index
    %get3A_108 = arith.constant 0 : index
    %get3A_109 = vector.load %arg4[%get3A_107, %get3A_108] : memref<1000x256xf32, #tpu.memory_space<vmem>>, vector<1000x256xf32>
    %add3A_110 = arith.addf %mul3A_25, %mul3A_106 : vector<1000x256xf32>
    %sub3A = arith.subf %add3A_110, %get3A_109 : vector<1000x256xf32>
    %mul3A_111 = arith.constant 5.000000e-01 : f32
    %mul3A_112 = vector.broadcast %mul3A_111 : f32 to vector<1000x256xf32>
    %mul3A_113 = arith.mulf %sub3A, %mul3A_112 : vector<1000x256xf32>
    %add3A_114 = arith.addf %get3A_109, %mul3A_113 : vector<1000x256xf32>
    %gt3A = arith.constant 1.000000e+00 : f32
    %gt3A_115 = vector.broadcast %gt3A : f32 to vector<1000x256xf32>
    %gt3A_116 = arith.cmpf ogt, %add3A_114, %gt3A_115 : vector<1000x256xf32>
    %jit3A = arith.constant 1.000000e+00 : f32
    %jit3A_117 = arith.constant 0.000000e+00 : f32
    %broadcast_in_dim3A = vector.broadcast %jit3A : f32 to vector<1000x256xf32>
    %broadcast_in_dim3A_118 = vector.broadcast %jit3A_117 : f32 to vector<1000x256xf32>
    %select_n3A = arith.select %gt3A_116, %broadcast_in_dim3A, %broadcast_in_dim3A_118 : vector<1000x256xi1>, vector<1000x256xf32>
    %sub3A_119 = arith.subf %add3A_114, %select_n3A : vector<1000x256xf32>
    %swap3A = arith.constant 0 : index
    %swap3A_120 = arith.constant 0 : index
    %swap3A_121 = arith.constant 0 : index
    %swap3A_122 = vector.load %arg5[%swap3A, %swap3A_120, %swap3A_121] : memref<4x1000x256xf32, #tpu.memory_space<vmem>>, vector<1x1000x256xf32>
    %swap3A_123 = vector.shape_cast %swap3A_122 : vector<1x1000x256xf32> to vector<1000x256xf32>
    %swap3A_124 = vector.shape_cast %select_n3A : vector<1000x256xf32> to vector<1x1000x256xf32>
    tpu.vector_store %arg5[%swap3A, %swap3A_120, %swap3A_121], %swap3A_124 {strides = array<i32>} : memref<4x1000x256xf32, #tpu.memory_space<vmem>>, vector<1x1000x256xf32>,
    %add3A_125 = arith.addf %mul3A_50, %mul3A_106 : vector<1000x256xf32>
    %sub3A_126 = arith.subf %add3A_125, %sub3A_119 : vector<1000x256xf32>
    %mul3A_127 = arith.constant 5.000000e-01 : f32
    %mul3A_128 = vector.broadcast %mul3A_127 : f32 to vector<1000x256xf32>
    %mul3A_129 = arith.mulf %sub3A_126, %mul3A_128 : vector<1000x256xf32>
    %add3A_130 = arith.addf %sub3A_119, %mul3A_129 : vector<1000x256xf32>
    %gt3A_131 = arith.constant 1.000000e+00 : f32
    %gt3A_132 = vector.broadcast %gt3A_131 : f32 to vector<1000x256xf32>
    %gt3A_133 = arith.cmpf ogt, %add3A_130, %gt3A_132 : vector<1000x256xf32>
    %jit3A_134 = arith.constant 1.000000e+00 : f32
    %jit3A_135 = arith.constant 0.000000e+00 : f32
    %broadcast_in_dim3A_136 = vector.broadcast %jit3A_134 : f32 to vector<1000x256xf32>
    %broadcast_in_dim3A_137 = vector.broadcast %jit3A_135 : f32 to vector<1000x256xf32>
    %select_n3A_138 = arith.select %gt3A_133, %broadcast_in_dim3A_136, %broadcast_in_dim3A_137 : vector<1000x256xi1>, vector<1000x256xf32>
    %sub3A_139 = arith.subf %add3A_130, %select_n3A_138 : vector<1000x256xf32>
    %swap3A_140 = arith.constant 1 : index
    %swap3A_141 = arith.constant 0 : index
    %swap3A_142 = arith.constant 0 : index
    %swap3A_143 = vector.load %arg5[%swap3A_140, %swap3A_141, %swap3A_142] : memref<4x1000x256xf32, #tpu.memory_space<vmem>>, vector<1x1000x256xf32>
    %swap3A_144 = vector.shape_cast %swap3A_143 : vector<1x1000x256xf32> to vector<1000x256xf32>
    %swap3A_145 = vector.shape_cast %select_n3A_138 : vector<1000x256xf32> to vector<1x1000x256xf32>
    tpu.vector_store %arg5[%swap3A_140, %swap3A_141, %swap3A_142], %swap3A_145 {strides = array<i32>} : memref<4x1000x256xf32, #tpu.memory_space<vmem>>, vector<1x1000x256xf32>,
    %add3A_146 = arith.addf %mul3A_75, %mul3A_106 : vector<1000x256xf32>
    %sub3A_147 = arith.subf %add3A_146, %sub3A_139 : vector<1000x256xf32>
    %mul3A_148 = arith.constant 5.000000e-01 : f32
    %mul3A_149 = vector.broadcast %mul3A_148 : f32 to vector<1000x256xf32>
    %mul3A_150 = arith.mulf %sub3A_147, %mul3A_149 : vector<1000x256xf32>
    %add3A_151 = arith.addf %sub3A_139, %mul3A_150 : vector<1000x256xf32>
    %gt3A_152 = arith.constant 1.000000e+00 : f32
    %gt3A_153 = vector.broadcast %gt3A_152 : f32 to vector<1000x256xf32>
    %gt3A_154 = arith.cmpf ogt, %add3A_151, %gt3A_153 : vector<1000x256xf32>
    %jit3A_155 = arith.constant 1.000000e+00 : f32
    %jit3A_156 = arith.constant 0.000000e+00 : f32
    %broadcast_in_dim3A_157 = vector.broadcast %jit3A_155 : f32 to vector<1000x256xf32>
    %broadcast_in_dim3A_158 = vector.broadcast %jit3A_156 : f32 to vector<1000x256xf32>
    %select_n3A_159 = arith.select %gt3A_154, %broadcast_in_dim3A_157, %broadcast_in_dim3A_158 : vector<1000x256xi1>, vector<1000x256xf32>
    %sub3A_160 = arith.subf %add3A_151, %select_n3A_159 : vector<1000x256xf32>
    %swap3A_161 = arith.constant 2 : index
    %swap3A_162 = arith.constant 0 : index
    %swap3A_163 = arith.constant 0 : index
    %swap3A_164 = vector.load %arg5[%swap3A_161, %swap3A_162, %swap3A_163] : memref<4x1000x256xf32, #tpu.memory_space<vmem>>, vector<1x1000x256xf32>
    %swap3A_165 = vector.shape_cast %swap3A_164 : vector<1x1000x256xf32> to vector<1000x256xf32>
    %swap3A_166 = vector.shape_cast %select_n3A_159 : vector<1000x256xf32> to vector<1x1000x256xf32>
    tpu.vector_store %arg5[%swap3A_161, %swap3A_162, %swap3A_163], %swap3A_166 {strides = array<i32>} : memref<4x1000x256xf32, #tpu.memory_space<vmem>>, vector<1x1000x256xf32>,
    %add3A_167 = arith.addf %mul3A_100, %mul3A_106 : vector<1000x256xf32>
    %sub3A_168 = arith.subf %add3A_167, %sub3A_160 : vector<1000x256xf32>
    %mul3A_169 = arith.constant 5.000000e-01 : f32
    %mul3A_170 = vector.broadcast %mul3A_169 : f32 to vector<1000x256xf32>
    %mul3A_171 = arith.mulf %sub3A_168, %mul3A_170 : vector<1000x256xf32>
    %add3A_172 = arith.addf %sub3A_160, %mul3A_171 : vector<1000x256xf32>
    %gt3A_173 = arith.constant 1.000000e+00 : f32
    %gt3A_174 = vector.broadcast %gt3A_173 : f32 to vector<1000x256xf32>
    %gt3A_175 = arith.cmpf ogt, %add3A_172, %gt3A_174 : vector<1000x256xf32>
    %jit3A_176 = arith.constant 1.000000e+00 : f32
    %jit3A_177 = arith.constant 0.000000e+00 : f32
    %broadcast_in_dim3A_178 = vector.broadcast %jit3A_176 : f32 to vector<1000x256xf32>
    %broadcast_in_dim3A_179 = vector.broadcast %jit3A_177 : f32 to vector<1000x256xf32>
    %select_n3A_180 = arith.select %gt3A_175, %broadcast_in_dim3A_178, %broadcast_in_dim3A_179 : vector<1000x256xi1>, vector<1000x256xf32>
    %sub3A_181 = arith.subf %add3A_172, %select_n3A_180 : vector<1000x256xf32>
    %swap3A_182 = arith.constant 3 : index
    %swap3A_183 = arith.constant 0 : index
    %swap3A_184 = arith.constant 0 : index
    %swap3A_185 = vector.load %arg5[%swap3A_182, %swap3A_183, %swap3A_184] : memref<4x1000x256xf32, #tpu.memory_space<vmem>>, vector<1x1000x256xf32>
    %swap3A_186 = vector.shape_cast %swap3A_185 : vector<1x1000x256xf32> to vector<1000x256xf32>
    %swap3A_187 = vector.shape_cast %select_n3A_180 : vector<1000x256xf32> to vector<1x1000x256xf32>
    tpu.vector_store %arg5[%swap3A_182, %swap3A_183, %swap3A_184], %swap3A_187 {strides = array<i32>} : memref<4x1000x256xf32, #tpu.memory_space<vmem>>, vector<1x1000x256xf32>,
    %swap3A_188 = arith.constant 0 : index
    %swap3A_189 = arith.constant 0 : index
    %swap3A_190 = vector.load %arg6[%swap3A_188, %swap3A_189] : memref<1000x256xf32, #tpu.memory_space<vmem>>, vector<1000x256xf32>
    tpu.vector_store %arg6[%swap3A_188, %swap3A_189], %sub3A_181 {strides = array<i32>} : memref<1000x256xf32, #tpu.memory_space<vmem>>, vector<1000x256xf32>,
    return
  }
  func.func @transform_0(%arg0: i32) -> (i32, i32, i32) {
    %c0_i32 = arith.constant 0 : i32
    %c0_i32_0 = arith.constant 0 : i32
    %c0_i32_1 = arith.constant 0 : i32
    return %c0_i32, %arg0, %c0_i32_0 : i32, i32, i32
  }
  func.func @transform_1(%arg0: i32) -> (i32, i32, i32) {
    %c0_i32 = arith.constant 0 : i32
    %c0_i32_0 = arith.constant 0 : i32
    %c0_i32_1 = arith.constant 0 : i32
    return %c0_i32, %arg0, %c0_i32_0 : i32, i32, i32
  }
  func.func @transform_2(%arg0: i32) -> (i32, i32) {
    %c0_i32 = arith.constant 0 : i32
    %c0_i32_0 = arith.constant 0 : i32
    return %arg0, %c0_i32 : i32, i32
  }
  func.func @transform_3(%arg0: i32) -> (i32, i32) {
    %c0_i32 = arith.constant 0 : i32
    %c0_i32_0 = arith.constant 0 : i32
    return %arg0, %c0_i32 : i32, i32
  }
  func.func @transform_4(%arg0: i32) -> (i32, i32, i32) {
    %c0_i32 = arith.constant 0 : i32
    %c0_i32_0 = arith.constant 0 : i32
    %c0_i32_1 = arith.constant 0 : i32
    return %c0_i32, %arg0, %c0_i32_0 : i32, i32, i32
  }
  func.func @transform_5(%arg0: i32) -> (i32, i32) {
    %c0_i32 = arith.constant 0 : i32
    %c0_i32_0 = arith.constant 0 : i32
    return %arg0, %c0_i32 : i32, i32
  }
}

</mosaic_0001>

<sc_bundles>
// kernel: kernel.6.cloned.1.call-start
scs
__scs_entry_jumppad:
0x0: {  	(pc) =	sbr.rel $0x88, $3  }
0x1: {  	(tag) =	ssettag $0x0;
	lr =	simm.s32 $0x1  }
0x2: {  	[smem:$0x3F9D] =	sst lr;
	_ =	strace $0xD0000000  }
0x3: {  	_ = 	snop  }
0x4: {  	_ = 	snop  }
0x5: {  	_ = 	snop  }
0x6: {  	_ = 	snop  }
0x7: {  	_ = 	snop  }
__scs_overlays_trampoline_lowered:
0x8: {  	[smem:$0x3FAC] =	sst s0  }
0x9: {  	[smem:$0x3FAD] =	sst s1  }
0xa: {  	[smem:$0x3FAE] =	sst s2  }
0xb: {  	[smem:$0x3FAF] =	sst s3  }
0xc: {  	[smem:$0x3FB0] =	sst s4  }
0xd: {  	[smem:$0x3FB1] =	sst s5  }
0xe: {  	[smem:$0x3FB2] =	sst s6  }
0xf: {  	[smem:$0x3FB3] =	sst s7  }
0x10: {  	[smem:$0x3FB4] =	sst s8  }
0x11: {  	[smem:$0x3FB5] =	sst s9;
	s0 =	simm.s32 @!p0 $0x0  }
0x12: {  	s1 =	sld [smem:$0x3F9B];
	s0 =	simm.s32 @p0 $0x1  }
0x13: {  	[smem:$0x3FB6] =	sst s0;
	s0 =	simm.s32 @!p1 $0x0  }
0x14: {  	s2 =	sld [smem:$0x3F9A];
	s0 =	simm.s32 @p1 $0x1  }
0x15: {  	[smem:$0x3FB7] =	sst s0;
	s0 =	simm.s32 @!p2 $0x0  }
0x16: {  	s3 =	sld [smem:$0x3FDB];
	s0 =	simm.s32 @p2 $0x1  }
0x17: {  	s4 =	simm.s32 $0x1BF5;
	[smem:$0x3FB9] =	sst s0  }
0x18: {  	s0 =	sld [smem:$0x3F9C];
	_ =	swait.ge [sflag:s4], $0x0  }
0x19: {  	s7 =	sld [smem:$0x3F9D]  }
0x1a: {  	s8 =	sadd.s32 $0xFFFFE003, lr  }
0x1b: {  	s9 =	sadd.s32 $0xFFFFFEF7, lr;
	s5 =	simm.s32 $0xFFFFFFFF;
	p2 =	slt.u32 s8, $0xFFFFF086  }
0x1c: {  	p1 =	slt.u32 s9, $0xF7A;
	s5 =	simm.s32 @!p2 $0x0  }
0x1d: {  	s5 =	simm.s32 @p1 $0x1;
	p0 =	seq.s32 s7, s2  }
0x1e: {  	s7 =	smul.u32 @!p0 $0xF7A, s2;
	p2 =	seq.s32 @!p0 s5, $0x0  }
0x1f: {  	s9 =	smul.u32 $0xF7A, s1;
	s8 =	simm.s32 @!p0 $0x1BF5;
	p2 =	por !p2, p0  }
0x20: {  	[sflag:s8] =	ssyncset.s32 @!p0 $0xFFFFF086;
	s6 =	sadd.s32 @!p0 s3, s7;
	s7 =	simm.s32 @!p0 $0x108  }
0x21: {  	s3 =	sadd.s32 s3, s9;
	s6 =	sadd.s32 @!p0 $0x88, s6;
	s7 =	simm.s32 @p2 $0x1082  }
0x22: {  	[simem:s7], [sflag:s8] =	dma.local @!p0 [hbm:s6], $0xF7A  }
0x23: {  	s9 =	sor.u32 $0xD0000000, s2;
	s6 =	simm.s32 $0x108;
	_ =	swait.ge @!p0 [sflag:s8], $0x0  }
0x24: {  	s3 =	sadd.s32 $0x88, s3;
	s6 =	simm.s32 @!p1 $0x1082;
	[sflag:s4] =	ssyncset.s32 $0xFFFFF086  }
0x25: {  	[simem:s6], [sflag:s4] =	dma.local [hbm:s3], $0xF7A  }
0x26: {  	[smem:$0x3F9D] =	sst s1;
	(tag) =	ssettag s2;
	_ =	strace s9  }
0x27: {  	s1 =	sld [smem:$0x3FAD]  }
0x28: {  	s2 =	sld [smem:$0x3FAE]  }
0x29: {  	s4 =	sld [smem:$0x3FB0]  }
0x2a: {  	p0 =	seq.s32 s5, $0x0;
	s5 =	sld [smem:$0x3FB1]  }
0x2b: {  	s6 =	sld [smem:$0x3FB2]  }
0x2c: {  	s7 =	sld [smem:$0x3FB3]  }
0x2d: {  	s3 =	simm.s32 $0x108;
	s8 =	sld [smem:$0x3FB4]  }
0x2e: {  	s3 =	simm.s32 @!p0 $0x1082;
	s9 =	sld [smem:$0x3FB5]  }
0x2f: {  	lr =	sadd.s32 s0, s3;
	s0 =	sld [smem:$0x3FAC]  }
0x30: {  	s3 =	sld [smem:$0x3FAF]  }
0x31: {  	[smem:$0x3FB8] =	sst s10  }
0x32: {  	s10 =	sld [smem:$0x3FB6];
	_ =	sdelay $0x3  }
0x33: {  	p0 =	seq.s32 s10, $0x1;
	s10 =	sld [smem:$0x3FB8];
	_ =	sdelay $0x3  }
0x34: {  	[smem:$0x3FB8] =	sst s10  }
0x35: {  	s10 =	sld [smem:$0x3FB7];
	_ =	sdelay $0x3  }
0x36: {  	p1 =	seq.s32 s10, $0x1;
	s10 =	sld [smem:$0x3FB8];
	_ =	sdelay $0x3  }
0x37: {  	[smem:$0x3FB8] =	sst s10  }
0x38: {  	s10 =	sld [smem:$0x3FB9]  }
0x39: {  	_ = 	snop;
	(pc) =	sbr.ind lr, $3  }
0x3a: {  	_ = 	snop  }
0x3b: {  	_ = 	snop  }
0x3c: {  	p2 =	seq.s32 s10, $0x1;
	s10 =	sld [smem:$0x3FB8]  }
0x3d: {  	_ =	shalt  }
0x3e: {  	_ =	shalt  }
0x3f: {  	_ =	shalt  }
0x40: {  	_ =	shalt  }
0x41: {  	_ =	shalt  }
0x42: {  	_ =	shalt  }
0x43: {  	_ =	shalt  }
0x44: {  	_ =	shalt  }
0x45: {  	_ =	shalt  }
0x46: {  	_ =	shalt  }
0x47: {  	_ =	shalt  }
0x48: {  	_ =	shalt  }
0x49: {  	_ =	shalt  }
0x4a: {  	_ =	shalt  }
0x4b: {  	_ =	shalt  }
0x4c: {  	_ =	shalt  }
0x4d: {  	_ =	shalt  }
0x4e: {  	_ =	shalt  }
0x4f: {  	_ =	shalt  }
0x50: {  	_ =	shalt  }
0x51: {  	_ =	shalt  }
0x52: {  	_ =	shalt  }
0x53: {  	_ =	shalt  }
0x54: {  	_ =	shalt  }
0x55: {  	_ =	shalt  }
0x56: {  	_ =	shalt  }
0x57: {  	_ =	shalt  }
0x58: {  	_ =	shalt  }
0x59: {  	_ =	shalt  }
0x5a: {  	_ =	shalt  }
0x5b: {  	_ =	shalt  }
0x5c: {  	_ =	shalt  }
0x5d: {  	_ =	shalt  }
0x5e: {  	_ =	shalt  }
0x5f: {  	_ =	shalt  }
0x60: {  	_ =	shalt  }
0x61: {  	_ =	shalt  }
0x62: {  	_ =	shalt  }
0x63: {  	_ =	shalt  }
0x64: {  	_ =	shalt  }
0x65: {  	_ =	shalt  }
0x66: {  	_ =	shalt  }
0x67: {  	_ =	shalt  }
0x68: {  	_ =	shalt  }
0x69: {  	_ =	shalt  }
0x6a: {  	_ =	shalt  }
0x6b: {  	_ =	shalt  }
0x6c: {  	_ =	shalt  }
0x6d: {  	_ =	shalt  }
0x6e: {  	_ =	shalt  }
0x6f: {  	_ =	shalt  }
0x70: {  	_ =	shalt  }
0x71: {  	_ =	shalt  }
0x72: {  	_ =	shalt  }
0x73: {  	_ =	shalt  }
0x74: {  	_ =	shalt  }
0x75: {  	_ =	shalt  }
0x76: {  	_ =	shalt  }
0x77: {  	_ =	shalt  }
0x78: {  	_ =	shalt  }
0x79: {  	_ =	shalt  }
0x7a: {  	_ =	shalt  }
0x7b: {  	_ =	shalt  }
0x7c: {  	_ =	shalt  }
0x7d: {  	_ =	shalt  }
0x7e: {  	_ =	shalt  }
0x7f: {  	_ =	shalt  }
0x80: {  	_ =	shalt  }
0x81: {  	_ =	shalt  }
0x82: {  	_ =	shalt  }
0x83: {  	_ =	shalt  }
0x84: {  	_ =	shalt  }
0x85: {  	_ =	shalt  }
0x86: {  	_ =	shalt  }
0x87: {  	_ =	shalt  }
.Lfunc_end0:
.L_simem_size_0:
called_computation_lowered:
.L_overlay_start_0:
0x88: {  	s2 =	sld [smem:$0x3FD9]  }
0x89: {  	s3 =	sld [smem:$0x3FFE];
	_ =	sdelay $0x1  }
0x8a: {  	s1 =	srdreg.scid  }
0x8b: {  	s0 =	sand.u32 $0x1, s1  }
0x8c: {  	s14 =	sshll.u32 s0, $0xA;
	s2 =	sadd.s32 s3, s2  }
0x8d: {  	s2 =	sadd.s32 s2, s14  }
0x8e: {  	[smem:$0x3FC4] =	sst s2  }
0x8f: {  	_ = 	snop  }
0x90: {  	s2 =	sld [smem:$0x3FD0];
	_ =	sdelay $0x2  }
0x91: {  	s15 =	simm.s32 $0xA;
	s4 =	simm.s32 $0x10  }
0x92: {  	[smem:s4], [sflag:s15] =	dma.local [hbm:s2], $0x1  }
0x93: {  	_ =	swait.eq [sflag:s15], $0x1  }
0x94: {  	[sflag:s15] =	ssyncset.done $0x0  }
0x95: {  	[sflag:s15] =	ssyncadd.s32 $0xFFFFFFFF  }
0x96: {  	s16 =	sld [smem:$0x10];
	(tm) =	ssettm $0x1  }
0x97: {  	s17 =	sld [smem:$0x3FFB];
	_ =	sdelay $0x3  }
0x98: {  	_ =	strace s17  }
0x99: {  	s3 =	sld [smem:$0x3FFC];
	_ =	sdelay $0x3  }
0x9a: {  	_ =	strace s3  }
0x9b: {  	s3 =	sld [smem:$0x3FFD];
	_ =	sdelay $0x3  }
0x9c: {  	_ =	strace s3  }
0x9d: {  	_ =	strace $0x8FFFFFFF  }
0x9e: {  	s18 =	sld [smem:$0x3FDB];
	_ =	sdelay $0x1  }
0x9f: {  	s19 =	simm.s32 $_scs_section_size  }
0xa0: {  	s5 =	simm.s32 $_size__tile_overlayer_lowered;
	s6 =	simm.s32 $_tile_overlayer_lowered  }
0xa1: {  	s22 =	simm.s32 $0x1BFF;
	s21 =	sshll.u32 s6, $0x1;
	s3 =	sadd.s32 s19, s18  }
0xa2: {  	s7 =	simm.s32 $0x0;
	s20 =	sshll.u32 s5, $0x1;
	s5 =	sadd.s32 s21, s3  }
0xa3: {  	[timem:s7], [sflag:s22] =	dma.local [hbm:s5], s20  }
0xa4: {  	_ =	swait.ge [sflag:s22], s20  }
0xa5: {  	s4 =	ssub.s32 $0x0, s20;
	[sflag:s22] =	ssyncset.done $0x0  }
0xa6: {  	[sflag:s22] =	ssyncadd.s32 s4;
	_ =	sdelay $0x1  }
0xa7: {  	s23 =	simm.s32 $0x1B8B  }
0xa8: {  	_ =	swait.ge [sflag:s23], $0x1  }
0xa9: {  	[sflag:s23] =	ssyncset.done $0x0  }
0xaa: {  	s25 =	simm.s32 $0x1B8E;
	s24 =	sld [smem:$0x3FFE];
	[sflag:s23] =	ssyncadd.s32 $0xFFFFFFFF  }
0xab: {  	s26 =	simm.s32 $execute0_lowered;
	[smem:$0x3FD2] =	sst s25  }
0xac: {  	s5 =	sshll.u32 s26, $0x1;
	_ =	strace $0x80000046;
	[dreg:$0x1] =	wrdreg $0xFFFFFFFF  }
0xad: {  	s28 =	simm.s32 $_size_execute0_lowered;
	s3 =	sadd.s32 s3, s5;
	[dreg:$0x0] =	wrdreg $0x0  }
0xae: {  	s5 =	sshll.u32 s28, $0x1;
	[dreg:$0x2] =	wrdreg s3  }
0xaf: {  	[dreg:$0x3] =	wrdreg s5  }
0xb0: {  	[dreg:$0x4] =	wrdreg $0xC0  }
0xb1: {  	_ =	task [dreg:s7], $0x5FFFF  }
0xb2: {  	[dreg:$0x1] =	wrdreg $0xFFFFFFFF  }
0xb3: {  	[dreg:$0x0] =	wrdreg $0x60  }
0xb4: {  	[dreg:$0x2] =	wrdreg s24  }
0xb5: {  	[dreg:$0x3] =	wrdreg s16  }
0xb6: {  	[dreg:$0x4] =	wrdreg $0x54000  }
0xb7: {  	[dreg:$0x5] =	wrdreg $0x9  }
0xb8: {  	_ =	task.clear_ibuf [dreg:s7], $0x6FFFF;
	_ =	strace $0x90000046  }
0xb9: {  	s29 =	simm.s32 $0x9;
	_ =	strace $0x80000048  }
0xba: {  	_ =	swait.ge [sflag:s29], $0x1  }
0xbb: {  	[sflag:s29] =	ssyncadd.s32 $0xFFFFFFFF  }
0xbc: {  	_ =	strace $0x90000048  }
0xbd: {  	_ =	sfence  }
0xbe: {  	s30 =	sld [smem:$0x0];
	_ =	sdelay $0x2  }
0xbf: {  	s31 =	sshll.u32 s1, $0xD;
	s1 =	sshrl.u32 s1, $0x2  }
0xc0: {  	s3 =	sand.u32 $0x4000, s31;
	s1 =	sadd.s32 s1, s30  }
0xc1: {  	s0 =	sor.u32 s3, s0;
	s1 =	sshll.u32 s1, $0x11  }
0xc2: {  	s0 =	sor.u32 s1, s0  }
0xc3: {  	s0 =	sadd.s32 $0x8F2B, s0  }
0xc4: {  	[sflag:s0] =	ssyncadd.remote.s32 $0x1  }
0xc5: {  	_ =	sfence.sel $0xFFFF  }
0xc6: {  	[dreg:$0x0] =	wrdreg $0xFFFFFFFF;
	(pc) =	sbr.abs _section_cstart, $3  }
0xc7: {  	[dreg:$0x1] =	wrdreg $0xFFFFFFFF  }
0xc8: {  	_ =	task.clear_ibuf [dreg:s7], $0x2FFFF;
	_ =	strace $0x9FFFFFFF  }
0xc9: {  	(tm) =	ssettm $0x7FFFFFFF  }
tec
execute0_lowered:
.L_overlay_start_1:
0x0: {  	(tag) =	ssettag $0x1  }
0x1: {  	s5 =	rddreg [dreg:$0x0]  }
0x2: {  	s0 =	srdreg.scid;
	s7 =	rddreg [dreg:$0x1]  }
0x3: {  	s2 =	rddreg [dreg:$0x2];
	s4 =	sand.u32 $0x1, s0  }
0x4: {  	s0 =	stileid.u32;
	s6 =	smul.u32 $0x14000, s4  }
0x5: {  	s1 =	rddreg [dreg:$0x3];
	s3 =	simm.s32 $0x0;
	s8 =	smul.u32 $0x1400, s0  }
0x6: {  	s13 =	simm.s32 $0x7D;
	[smem:$0x7FF] =	sst s3;
	s28 =	smul.u32 $0x50000, s0  }
0x7: {  	s14 =	simm.s32 $0x0;
	_ =	strace $0x80000047;
	s9 =	smul.u32 $0x140000, s4  }
0x8: {  	s10 =	ssub.s32 $0x2, s4;
	s11 =	smul.u32 $0x14000, s0;
	s4 =	sadd.s32 $0x6200, s5  }
0x9: {  	s31 =	sshll.u32 s0, $0x6;
	s12 =	sshrl.u32 s10, $0x1;
	s6 =	sadd.s32 s8, s6  }
0xa: {  	s10 =	ssub.s32 s10, s12;
	s8 =	sshrl.u32 s28, $0x2;
	s9 =	sadd.s32 s11, s9  }
0xb: {  	s11 =	sor.u32 $0x1C01, s31;
	s6 =	sshrl.u32 s6, $0x3;
	s29 =	sadd.s32 s8, s2  }
0xc: {  	s30 =	sshrl.u32 s9, $0x3;
	s8 =	smax.u32 s10, $0x1;
	s9 =	simm.s32 $0x1  }
0xd: {  	s10 =	simm.s32 $0x4000;
	s6 =	sadd.s32 s6, s5;
	s5 =	sadd.s32 $0x6A00, s5  }
0xe: {  	s7 =	sadd.s32 s7, s30;
	s12 =	sshrl.u32 s29, $0x3;
	s6 =	sadd.s32 $0x1200, s6  }
.LBB2_1:
0xf: {  	[tilespmem:s3], [sflag:$0x1] =	stream.linear.gather [hbm4b:s4+s3], $0x3E80, $0x38;
	[tilespmem:$0x19400] =	vst v63  }
0x10: {  	_ =	swait.ge [sflag:s9], $0x3E80  }
0x11: {  	[sflag:s9] =	ssyncset.done $0x0  }
0x12: {  	[sflag:s9] =	ssyncadd.s32 $0xFFFFC180  }
0x13: {  	[tilespmem:s10], [sflag:$0x1] =	stream.linear.gather [hbm4b:s6+s3], $0x1400, $0x38;
	[tilespmem:$0x19400] =	vst v63  }
0x14: {  	_ =	swait.ge [sflag:s9], $0x1400  }
0x15: {  	[sflag:s9] =	ssyncset.done $0x0  }
0x16: {  	[sflag:s9] =	ssyncadd.s32 $0xFFFFEC00  }
0x17: {  	[spmem:s12], [sflag:s11] =	dma.local [hbm:s5], $0x2800  }
0x18: {  	_ =	swait.ge [sflag:s9], $0x2800  }
0x19: {  	[sflag:s9] =	ssyncset.done $0x0  }
0x1a: {  	[sflag:s9] =	ssyncadd.s32 $0xFFFFD800  }
0x1b: {  	s15 =	simm.s32 $0x4000;
	[bflag:$0x0] =	sbarrier.arrive $0xFFFF  }
0x1c: {  	[spmem:s2] =	stream.indirect.scatter.add.f32 [tilespmem:s3], [sflag:$0x1], $0x80, s15, s13, $0xb8;
	[tilespmem:$0x19400] =	vst v63  }
0x1d: {  	s15 =	simm.s32 $0x200;
	_ =	swait.ge [sflag:s9], $0x3E80  }
.LBB2_2:
0x1e: {  	s16 =	sshra.s32 s15, $0x2;
	[sflag:s9] =	ssyncset.done $0x0;
	p0 =	sne.s32 s15, $0x4E00  }
.Ltmp0:
0x1f: {  	s16 =	sadd.s32 $0x4000, s16;
	[sflag:s9] =	ssyncadd.s32 $0xFFFFC180;
	(pc) =	sbr.rel @p0 .LBB2_2-.Ltmp0, $3  }
0x20: {  	[spmem:s2] =	stream.indirect.scatter.add.f32 [tilespmem:s3], [sflag:$0x1], $0x80, s16, s13, $0xb8;
	[tilespmem:$0x19400] =	vst v63  }
0x21: {  	s15 =	sadd.s32 $0x200, s15;
	_ =	sdelay $0x1  }
0x22: {  	_ =	swait.ge [sflag:s9], $0x3E80  }
0x23: {  	[sflag:s9] =	ssyncset.done $0x0;
	s14 =	sadd.s32 $0x1, s14  }
0x24: {  	[sflag:s9] =	ssyncadd.s32 $0xFFFFC180;
	p0 =	sne.s32 s14, s8  }
.Ltmp1:
0x25: {  	[bflag:$0x0] =	sbarrier.arrive $0xFFFF;
	(pc) =	sbr.rel @p0 .LBB2_1-.Ltmp1, $4  }
0x26: {  	[hbm:s7], [sflag:s11] =	dma.local [spmem:s12], $0x2800  }
0x27: {  	_ =	swait.ge [sflag:s9], $0x2800  }
0x28: {  	[sflag:s9] =	ssyncset.done $0x0  }
0x29: {  	[sflag:s9] =	ssyncadd.s32 $0xFFFFD800  }
0x2a: {  	_ =	sfence.sel $0x180000  }
0x2b: {  	[bflag:$0x0] =	sbarrier.arrive $0xFFFF  }
0x2c: {  	p0 =	sne.s32 s0, $0x0;
	_ =	strace $0x90000047  }
0x2d: {  	s0 =	sadd.s32 @!p0 $0x100000, s1;
	[bflag:$0x2] =	sbarrier.arrive $0xFFFF  }
0x2e: {  	[sflag:s0] =	ssyncadd.tile.s32 @!p0 $0x1;
	_ =	shalt  }
.Lfunc_end2:
_tile_overlayer_lowered:
.L_overlay_start_2:
0x2f: {  	(tag) =	ssettag $0x2  }
0x30: {  	s0 =	rddreg [dreg:$0x0];
	s2 =	stileid.u32  }
0x31: {  	s1 =	rddreg [dreg:$0x1];
	p0 =	sne.s32 s2, $0x0  }
0x32: {  	s3 =	rddreg [dreg:$0x2];
	[bflag:$0x3] =	sbarrier.arrive $0xFFFF;
	s2 =	simm.s32 @!p0 $0x1C01  }
0x33: {  	[timem:s3], [sflag:s2] =	dma.local @!p0 [hbm:s0], s1  }
0x34: {  	s0 =	simm.s32 @!p0 $0x1  }
0x35: {  	_ =	swait.ge @!p0 [sflag:s0], s1  }
0x36: {  	s1 =	ssub.s32 @!p0 $0x0, s1;
	[sflag:s0] =	ssyncset.done @!p0 $0x0  }
0x37: {  	[sflag:s0] =	ssyncadd.s32 @!p0 s1  }
0x38: {  	[bflag:$0x3] =	sbarrier.arrive $0xFFFF  }
0x39: {  	_ =	shalt  }

// kernel: kernel.9.cloned.1.call-start
scs
__scs_entry_jumppad:
0x0: {  	(pc) =	sbr.rel $0x88, $3  }
0x1: {  	(tag) =	ssettag $0x0;
	lr =	simm.s32 $0x1  }
0x2: {  	[smem:$0x3F9D] =	sst lr;
	_ =	strace $0xD0000000  }
0x3: {  	_ = 	snop  }
0x4: {  	_ = 	snop  }
0x5: {  	_ = 	snop  }
0x6: {  	_ = 	snop  }
0x7: {  	_ = 	snop  }
__scs_overlays_trampoline_lowered:
0x8: {  	[smem:$0x3FAC] =	sst s0  }
0x9: {  	[smem:$0x3FAD] =	sst s1  }
0xa: {  	[smem:$0x3FAE] =	sst s2  }
0xb: {  	[smem:$0x3FAF] =	sst s3  }
0xc: {  	[smem:$0x3FB0] =	sst s4  }
0xd: {  	[smem:$0x3FB1] =	sst s5  }
0xe: {  	[smem:$0x3FB2] =	sst s6  }
0xf: {  	[smem:$0x3FB3] =	sst s7  }
0x10: {  	[smem:$0x3FB4] =	sst s8  }
0x11: {  	[smem:$0x3FB5] =	sst s9;
	s0 =	simm.s32 @!p0 $0x0  }
0x12: {  	s1 =	sld [smem:$0x3F9B];
	s0 =	simm.s32 @p0 $0x1  }
0x13: {  	[smem:$0x3FB6] =	sst s0;
	s0 =	simm.s32 @!p1 $0x0  }
0x14: {  	s2 =	sld [smem:$0x3F9A];
	s0 =	simm.s32 @p1 $0x1  }
0x15: {  	[smem:$0x3FB7] =	sst s0;
	s0 =	simm.s32 @!p2 $0x0  }
0x16: {  	s3 =	sld [smem:$0x3FDB];
	s0 =	simm.s32 @p2 $0x1  }
0x17: {  	s4 =	simm.s32 $0x1BF5;
	[smem:$0x3FB9] =	sst s0  }
0x18: {  	s0 =	sld [smem:$0x3F9C];
	_ =	swait.ge [sflag:s4], $0x0  }
0x19: {  	s7 =	sld [smem:$0x3F9D]  }
0x1a: {  	s8 =	sadd.s32 $0xFFFFE003, lr  }
0x1b: {  	s9 =	sadd.s32 $0xFFFFFEF7, lr;
	s5 =	simm.s32 $0xFFFFFFFF;
	p2 =	slt.u32 s8, $0xFFFFF086  }
0x1c: {  	p1 =	slt.u32 s9, $0xF7A;
	s5 =	simm.s32 @!p2 $0x0  }
0x1d: {  	s5 =	simm.s32 @p1 $0x1;
	p0 =	seq.s32 s7, s2  }
0x1e: {  	s7 =	smul.u32 @!p0 $0xF7A, s2;
	p2 =	seq.s32 @!p0 s5, $0x0  }
0x1f: {  	s9 =	smul.u32 $0xF7A, s1;
	s8 =	simm.s32 @!p0 $0x1BF5;
	p2 =	por !p2, p0  }
0x20: {  	[sflag:s8] =	ssyncset.s32 @!p0 $0xFFFFF086;
	s6 =	sadd.s32 @!p0 s3, s7;
	s7 =	simm.s32 @!p0 $0x108  }
0x21: {  	s3 =	sadd.s32 s3, s9;
	s6 =	sadd.s32 @!p0 $0x88, s6;
	s7 =	simm.s32 @p2 $0x1082  }
0x22: {  	[simem:s7], [sflag:s8] =	dma.local @!p0 [hbm:s6], $0xF7A  }
0x23: {  	s9 =	sor.u32 $0xD0000000, s2;
	s6 =	simm.s32 $0x108;
	_ =	swait.ge @!p0 [sflag:s8], $0x0  }
0x24: {  	s3 =	sadd.s32 $0x88, s3;
	s6 =	simm.s32 @!p1 $0x1082;
	[sflag:s4] =	ssyncset.s32 $0xFFFFF086  }
0x25: {  	[simem:s6], [sflag:s4] =	dma.local [hbm:s3], $0xF7A  }
0x26: {  	[smem:$0x3F9D] =	sst s1;
	(tag) =	ssettag s2;
	_ =	strace s9  }
0x27: {  	s1 =	sld [smem:$0x3FAD]  }
0x28: {  	s2 =	sld [smem:$0x3FAE]  }
0x29: {  	s4 =	sld [smem:$0x3FB0]  }
0x2a: {  	p0 =	seq.s32 s5, $0x0;
	s5 =	sld [smem:$0x3FB1]  }
0x2b: {  	s6 =	sld [smem:$0x3FB2]  }
0x2c: {  	s7 =	sld [smem:$0x3FB3]  }
0x2d: {  	s3 =	simm.s32 $0x108;
	s8 =	sld [smem:$0x3FB4]  }
0x2e: {  	s3 =	simm.s32 @!p0 $0x1082;
	s9 =	sld [smem:$0x3FB5]  }
0x2f: {  	lr =	sadd.s32 s0, s3;
	s0 =	sld [smem:$0x3FAC]  }
0x30: {  	s3 =	sld [smem:$0x3FAF]  }
0x31: {  	[smem:$0x3FB8] =	sst s10  }
0x32: {  	s10 =	sld [smem:$0x3FB6];
	_ =	sdelay $0x3  }
0x33: {  	p0 =	seq.s32 s10, $0x1;
	s10 =	sld [smem:$0x3FB8];
	_ =	sdelay $0x3  }
0x34: {  	[smem:$0x3FB8] =	sst s10  }
0x35: {  	s10 =	sld [smem:$0x3FB7];
	_ =	sdelay $0x3  }
0x36: {  	p1 =	seq.s32 s10, $0x1;
	s10 =	sld [smem:$0x3FB8];
	_ =	sdelay $0x3  }
0x37: {  	[smem:$0x3FB8] =	sst s10  }
0x38: {  	s10 =	sld [smem:$0x3FB9]  }
0x39: {  	_ = 	snop;
	(pc) =	sbr.ind lr, $3  }
0x3a: {  	_ = 	snop  }
0x3b: {  	_ = 	snop  }
0x3c: {  	p2 =	seq.s32 s10, $0x1;
	s10 =	sld [smem:$0x3FB8]  }
0x3d: {  	_ =	shalt  }
0x3e: {  	_ =	shalt  }
0x3f: {  	_ =	shalt  }
0x40: {  	_ =	shalt  }
0x41: {  	_ =	shalt  }
0x42: {  	_ =	shalt  }
0x43: {  	_ =	shalt  }
0x44: {  	_ =	shalt  }
0x45: {  	_ =	shalt  }
0x46: {  	_ =	shalt  }
0x47: {  	_ =	shalt  }
0x48: {  	_ =	shalt  }
0x49: {  	_ =	shalt  }
0x4a: {  	_ =	shalt  }
0x4b: {  	_ =	shalt  }
0x4c: {  	_ =	shalt  }
0x4d: {  	_ =	shalt  }
0x4e: {  	_ =	shalt  }
0x4f: {  	_ =	shalt  }
0x50: {  	_ =	shalt  }
0x51: {  	_ =	shalt  }
0x52: {  	_ =	shalt  }
0x53: {  	_ =	shalt  }
0x54: {  	_ =	shalt  }
0x55: {  	_ =	shalt  }
0x56: {  	_ =	shalt  }
0x57: {  	_ =	shalt  }
0x58: {  	_ =	shalt  }
0x59: {  	_ =	shalt  }
0x5a: {  	_ =	shalt  }
0x5b: {  	_ =	shalt  }
0x5c: {  	_ =	shalt  }
0x5d: {  	_ =	shalt  }
0x5e: {  	_ =	shalt  }
0x5f: {  	_ =	shalt  }
0x60: {  	_ =	shalt  }
0x61: {  	_ =	shalt  }
0x62: {  	_ =	shalt  }
0x63: {  	_ =	shalt  }
0x64: {  	_ =	shalt  }
0x65: {  	_ =	shalt  }
0x66: {  	_ =	shalt  }
0x67: {  	_ =	shalt  }
0x68: {  	_ =	shalt  }
0x69: {  	_ =	shalt  }
0x6a: {  	_ =	shalt  }
0x6b: {  	_ =	shalt  }
0x6c: {  	_ =	shalt  }
0x6d: {  	_ =	shalt  }
0x6e: {  	_ =	shalt  }
0x6f: {  	_ =	shalt  }
0x70: {  	_ =	shalt  }
0x71: {  	_ =	shalt  }
0x72: {  	_ =	shalt  }
0x73: {  	_ =	shalt  }
0x74: {  	_ =	shalt  }
0x75: {  	_ =	shalt  }
0x76: {  	_ =	shalt  }
0x77: {  	_ =	shalt  }
0x78: {  	_ =	shalt  }
0x79: {  	_ =	shalt  }
0x7a: {  	_ =	shalt  }
0x7b: {  	_ =	shalt  }
0x7c: {  	_ =	shalt  }
0x7d: {  	_ =	shalt  }
0x7e: {  	_ =	shalt  }
0x7f: {  	_ =	shalt  }
0x80: {  	_ =	shalt  }
0x81: {  	_ =	shalt  }
0x82: {  	_ =	shalt  }
0x83: {  	_ =	shalt  }
0x84: {  	_ =	shalt  }
0x85: {  	_ =	shalt  }
0x86: {  	_ =	shalt  }
0x87: {  	_ =	shalt  }
.Lfunc_end0:
.L_simem_size_0:
called_computation.1_lowered:
.L_overlay_start_0:
0x88: {  	s2 =	sld [smem:$0x3FD9]  }
0x89: {  	s3 =	sld [smem:$0x3FFE];
	_ =	sdelay $0x1  }
0x8a: {  	s1 =	srdreg.scid  }
0x8b: {  	s0 =	sand.u32 $0x1, s1  }
0x8c: {  	s14 =	sshll.u32 s0, $0xA;
	s2 =	sadd.s32 s3, s2  }
0x8d: {  	s2 =	sadd.s32 s2, s14  }
0x8e: {  	[smem:$0x3FC4] =	sst s2  }
0x8f: {  	_ = 	snop  }
0x90: {  	s2 =	sld [smem:$0x3FD0];
	_ =	sdelay $0x2  }
0x91: {  	s15 =	simm.s32 $0xA;
	s4 =	simm.s32 $0x10  }
0x92: {  	[smem:s4], [sflag:s15] =	dma.local [hbm:s2], $0x1  }
0x93: {  	_ =	swait.eq [sflag:s15], $0x1  }
0x94: {  	[sflag:s15] =	ssyncset.done $0x0  }
0x95: {  	[sflag:s15] =	ssyncadd.s32 $0xFFFFFFFF  }
0x96: {  	s16 =	sld [smem:$0x11];
	(tm) =	ssettm $0x1  }
0x97: {  	s17 =	sld [smem:$0x3FFB];
	_ =	sdelay $0x3  }
0x98: {  	_ =	strace s17  }
0x99: {  	s3 =	sld [smem:$0x3FFC];
	_ =	sdelay $0x3  }
0x9a: {  	_ =	strace s3  }
0x9b: {  	s3 =	sld [smem:$0x3FFD];
	_ =	sdelay $0x3  }
0x9c: {  	_ =	strace s3  }
0x9d: {  	_ =	strace $0x8FFFFFFF  }
0x9e: {  	s18 =	sld [smem:$0x3FDB];
	_ =	sdelay $0x1  }
0x9f: {  	s19 =	simm.s32 $_scs_section_size  }
0xa0: {  	s5 =	simm.s32 $_size__tile_overlayer_lowered;
	s6 =	simm.s32 $_tile_overlayer_lowered  }
0xa1: {  	s22 =	simm.s32 $0x1BFF;
	s21 =	sshll.u32 s6, $0x1;
	s3 =	sadd.s32 s19, s18  }
0xa2: {  	s7 =	simm.s32 $0x0;
	s20 =	sshll.u32 s5, $0x1;
	s5 =	sadd.s32 s21, s3  }
0xa3: {  	[timem:s7], [sflag:s22] =	dma.local [hbm:s5], s20  }
0xa4: {  	_ =	swait.ge [sflag:s22], s20  }
0xa5: {  	s4 =	ssub.s32 $0x0, s20;
	[sflag:s22] =	ssyncset.done $0x0  }
0xa6: {  	[sflag:s22] =	ssyncadd.s32 s4;
	_ =	sdelay $0x1  }
0xa7: {  	s23 =	simm.s32 $0x1B8B  }
0xa8: {  	_ =	swait.ge [sflag:s23], $0x1  }
0xa9: {  	[sflag:s23] =	ssyncset.done $0x0  }
0xaa: {  	s25 =	simm.s32 $0x1B8E;
	s24 =	sld [smem:$0x3FFE];
	[sflag:s23] =	ssyncadd.s32 $0xFFFFFFFF  }
0xab: {  	s26 =	simm.s32 $execute0_lowered;
	[smem:$0x3FD2] =	sst s25  }
0xac: {  	s5 =	sshll.u32 s26, $0x1;
	_ =	strace $0x80000049;
	[dreg:$0x1] =	wrdreg $0xFFFFFFFF  }
0xad: {  	s28 =	simm.s32 $_size_execute0_lowered;
	s3 =	sadd.s32 s3, s5;
	[dreg:$0x0] =	wrdreg $0x0  }
0xae: {  	s5 =	sshll.u32 s28, $0x1;
	[dreg:$0x2] =	wrdreg s3  }
0xaf: {  	[dreg:$0x3] =	wrdreg s5  }
0xb0: {  	[dreg:$0x4] =	wrdreg $0xC0  }
0xb1: {  	_ =	task [dreg:s7], $0x5FFFF  }
0xb2: {  	[dreg:$0x1] =	wrdreg $0xFFFFFFFF  }
0xb3: {  	[dreg:$0x0] =	wrdreg $0x60  }
0xb4: {  	[dreg:$0x2] =	wrdreg s24  }
0xb5: {  	[dreg:$0x3] =	wrdreg s16  }
0xb6: {  	[dreg:$0x4] =	wrdreg $0x90000  }
0xb7: {  	[dreg:$0x5] =	wrdreg $0x9  }
0xb8: {  	_ =	task.clear_ibuf [dreg:s7], $0x6FFFF;
	_ =	strace $0x90000049  }
0xb9: {  	s29 =	simm.s32 $0x9;
	_ =	strace $0x8000004B  }
0xba: {  	_ =	swait.ge [sflag:s29], $0x1  }
0xbb: {  	[sflag:s29] =	ssyncadd.s32 $0xFFFFFFFF  }
0xbc: {  	_ =	strace $0x9000004B  }
0xbd: {  	_ =	sfence  }
0xbe: {  	s30 =	sld [smem:$0x0];
	_ =	sdelay $0x2  }
0xbf: {  	s31 =	sshll.u32 s1, $0xD;
	s1 =	sshrl.u32 s1, $0x2  }
0xc0: {  	s3 =	sand.u32 $0x4000, s31;
	s1 =	sadd.s32 s1, s30  }
0xc1: {  	s0 =	sor.u32 s3, s0;
	s1 =	sshll.u32 s1, $0x11  }
0xc2: {  	s0 =	sor.u32 s1, s0  }
0xc3: {  	s0 =	sadd.s32 $0x8F2B, s0  }
0xc4: {  	[sflag:s0] =	ssyncadd.remote.s32 $0x1  }
0xc5: {  	_ =	sfence.sel $0xFFFF  }
0xc6: {  	[dreg:$0x0] =	wrdreg $0xFFFFFFFF;
	(pc) =	sbr.abs _section_cstart, $3  }
0xc7: {  	[dreg:$0x1] =	wrdreg $0xFFFFFFFF  }
0xc8: {  	_ =	task.clear_ibuf [dreg:s7], $0x2FFFF;
	_ =	strace $0x9FFFFFFF  }
0xc9: {  	(tm) =	ssettm $0x7FFFFFFF  }
tec
execute0_lowered:
.L_overlay_start_1:
0x0: {  	(tag) =	ssettag $0x1  }
0x1: {  	s6 =	rddreg [dreg:$0x0]  }
0x2: {  	s14 =	rddreg [dreg:$0x1]  }
0x3: {  	s2 =	rddreg [dreg:$0x2];
	s1 =	stileid.u32  }
0x4: {  	s0 =	rddreg [dreg:$0x3];
	s3 =	simm.s32 $0x0;
	s4 =	srdreg.scid  }
0x5: {  	s13 =	smul.u32 $0x2800, s1;
	[smem:$0x7FF] =	sst s3  }
0x6: {  	s10 =	sand.u32 $0x1, s4;
	s4 =	sadd.s32 $0xE200, s6;
	s22 =	smul.u32 $0x50000, s1  }
0x7: {  	s15 =	sadd.s32 $0x146A00, s6;
	s17 =	smul.u32 $0x14000, s1;
	s31 =	sshll.u32 s1, $0x6  }
0x8: {  	_ =	strace $0x8000004A;
	s8 =	ssub.s32 $0x2, s10;
	s11 =	smul.u32 $0xA0000, s10  }
0x9: {  	s24 =	sshll.u32 s10, $0x2;
	s25 =	smul.u32 $0x500000, s10;
	s10 =	sshllo.u32 s10, $0x2  }
0xa: {  	s5 =	sshrl.u32 s13, $0x3;
	s9 =	sshrl.u32 s8, $0x1;
	s20 =	smul.u32 $0x28000, s10  }
0xb: {  	s12 =	sor.u32 $0x1, s24;
	s19 =	sor.u32 $0x2, s24;
	s21 =	smul.u32 $0x140000, s10  }
0xc: {  	s7 =	sadd.s32 s5, s6;
	s5 =	sadd.s32 $0x6A00, s6;
	s18 =	smul.u32 $0x28000, s12  }
0xd: {  	s16 =	ssub.s32 s8, s9;
	s23 =	sadd.s32 s13, s11;
	s12 =	smul.u32 $0x140000, s12  }
0xe: {  	s8 =	sshrl.u32 s22, $0x2;
	s11 =	sadd.s32 s17, s25;
	s28 =	smul.u32 $0x28000, s19  }
0xf: {  	s19 =	smul.u32 $0x140000, s19;
	s22 =	simm.s32 $0x1;
	s6 =	sadd.s32 $0x9200, s7  }
0x10: {  	s7 =	sshrl.u32 s23, $0x3;
	s8 =	sadd.s32 s8, s2;
	s11 =	sshrl.u32 s11, $0x3  }
0x11: {  	s16 =	smax.u32 s16, $0x1;
	s23 =	simm.s32 $0x0;
	s7 =	sadd.s32 s14, s7  }
0x12: {  	s9 =	sadd.s32 s15, s11;
	s26 =	sadd.s32 s13, s18;
	s12 =	sadd.s32 s17, s12  }
0x13: {  	s18 =	sadd.s32 s13, s28;
	s29 =	sadd.s32 s17, s19;
	s13 =	sadd.s32 s13, s20  }
0x14: {  	s17 =	sadd.s32 s17, s21;
	s19 =	sor.u32 $0x1C02, s31;
	s20 =	simm.s32 $0x7D  }
0x15: {  	s21 =	simm.s32 $0x5000;
	s11 =	sshrl.u32 s26, $0x3;
	s12 =	sshrl.u32 s12, $0x3  }
0x16: {  	s18 =	sshrl.u32 s18, $0x3;
	s30 =	sshrl.u32 s13, $0x3;
	s10 =	sadd.s32 s14, s11  }
0x17: {  	s11 =	sadd.s32 s15, s12;
	s12 =	sadd.s32 s14, s18;
	s18 =	sshrl.u32 s29, $0x3  }
0x18: {  	s17 =	sshrl.u32 s17, $0x3;
	s14 =	sadd.s32 s14, s30;
	s13 =	sadd.s32 s15, s18  }
0x19: {  	s15 =	sadd.s32 s15, s17;
	s17 =	simm.s32 $0x2800;
	s18 =	simm.s32 $0x2  }
.LBB2_1:
0x1a: {  	[tilespmem:s17], [sflag:$0x2] =	stream.linear.gather [hbm4b:s6+s3], $0x2800, $0x38;
	[tilespmem:$0x1D000] =	vst v63  }
0x1b: {  	_ =	swait.ge [sflag:s18], $0x2800  }
0x1c: {  	[sflag:s18] =	ssyncset.done $0x0  }
0x1d: {  	[sflag:s18] =	ssyncadd.s32 $0xFFFFD800  }
0x1e: {  	[tilespmem:s3], [sflag:$0x2] =	stream.linear.gather [hbm4b:s7+s3], $0x2800, $0x38;
	[tilespmem:$0x1D000] =	vst v63  }
0x1f: {  	_ =	swait.ge [sflag:s18], $0x2800  }
0x20: {  	[sflag:s18] =	ssyncset.done $0x0  }
0x21: {  	s24 =	sshrl.u32 s8, $0x3;
	[sflag:s18] =	ssyncadd.s32 $0xFFFFD800  }
0x22: {  	[spmem:s24], [sflag:s19] =	dma.local [hbm:s5], $0x2800  }
0x23: {  	_ =	swait.ge [sflag:s18], $0x2800  }
0x24: {  	[sflag:s18] =	ssyncset.done $0x0  }
0x25: {  	[sflag:s18] =	ssyncadd.s32 $0xFFFFD800  }
0x26: {  	s25 =	simm.s32 $0x0;
	[bflag:$0x0] =	sbarrier.arrive $0xFFFF  }
0x27: {  	[tilespmem:s21], [sflag:$0x1] =	stream.indirect.gather [hbm4b:s4+s20], $0x80, s25, s20, $0xb8;
	[tilespmem:$0x1D000] =	vst v63  }
0x28: {  	_ =	swait.ge [sflag:s22], $0x3E80  }
0x29: {  	[sflag:s22] =	ssyncset.done $0x0  }
0x2a: {  	s31 =	simm.s32 $0x2800;
	[sflag:s22] =	ssyncadd.s32 $0xFFFFC180  }
0x2b: {  	[spmem:s2] =	stream.indirect.scatter.add.f32 [tilespmem:s21], [sflag:$0x2], $0x80, s31, s20, $0xb8;
	[tilespmem:$0x1D000] =	vst v63  }
0x2c: {  	_ =	swait.ge [sflag:s18], $0x3E80  }
0x2d: {  	s26 =	simm.s32 $0x400;
	s25 =	simm.s32 $0x200;
	[sflag:s18] =	ssyncset.done $0x0  }
.LBB2_2:
0x2e: {  	s28 =	sshra.s32 s25, $0x2  }
0x2f: {  	[sflag:s18] =	ssyncadd.s32 $0xFFFFC180;
	s25 =	smov.u32 s26;
	s29 =	sadd.s32 $0x200, s26  }
0x30: {  	[tilespmem:s21], [sflag:$0x1] =	stream.indirect.gather [hbm4b:s4+s20], $0x80, s28, s20, $0xb8;
	[tilespmem:$0x1D000] =	vst v63  }
0x31: {  	p0 =	sne.s32 s26, $0x9E00;
	_ =	swait.ge [sflag:s22], $0x3E80  }
.Ltmp0:
0x32: {  	[sflag:s22] =	ssyncset.done $0x0;
	(pc) =	sbr.rel @p0 .LBB2_2-.Ltmp0, $4  }
0x33: {  	s26 =	sadd.s32 $0x2800, s28;
	[sflag:s22] =	ssyncadd.s32 $0xFFFFC180  }
0x34: {  	[spmem:s2] =	stream.indirect.scatter.add.f32 [tilespmem:s21], [sflag:$0x2], $0x80, s26, s20, $0xb8;
	[tilespmem:$0x1D000] =	vst v63  }
0x35: {  	_ =	swait.ge [sflag:s18], $0x3E80  }
0x36: {  	s26 =	smov.u32 s29;
	[sflag:s18] =	ssyncset.done $0x0  }
0x37: {  	s25 =	sshra.s32 s25, $0x2;
	[sflag:s18] =	ssyncadd.s32 $0xFFFFC180  }
0x38: {  	[tilespmem:s21], [sflag:$0x1] =	stream.indirect.gather [hbm4b:s4+s20], $0x80, s25, s20, $0xb8;
	[tilespmem:$0x1D000] =	vst v63  }
0x39: {  	_ =	swait.ge [sflag:s22], $0x3E80  }
0x3a: {  	[sflag:s22] =	ssyncset.done $0x0  }
0x3b: {  	s25 =	sadd.s32 $0x2800, s25;
	[sflag:s22] =	ssyncadd.s32 $0xFFFFC180  }
0x3c: {  	[spmem:s2] =	stream.indirect.scatter.add.f32 [tilespmem:s21], [sflag:$0x2], $0x80, s25, s20, $0xb8;
	[tilespmem:$0x1D000] =	vst v63  }
0x3d: {  	_ =	swait.ge [sflag:s18], $0x3E80  }
0x3e: {  	[sflag:s18] =	ssyncset.done $0x0  }
0x3f: {  	[sflag:s18] =	ssyncadd.s32 $0xFFFFC180  }
0x40: {  	[bflag:$0x0] =	sbarrier.arrive $0xFFFF  }
0x41: {  	[hbm:s9], [sflag:s19] =	dma.local [spmem:s24], $0x2800  }
0x42: {  	_ =	swait.ge [sflag:s18], $0x2800  }
0x43: {  	[sflag:s18] =	ssyncset.done $0x0  }
0x44: {  	s29 =	simm.s32 $0x0;
	[sflag:s18] =	ssyncadd.s32 $0xFFFFD800  }
0x45: {  	[tilespmem:s29], [sflag:$0x2] =	stream.linear.gather [hbm4b:s10+s29], $0x2800, $0x38;
	[tilespmem:$0x1D000] =	vst v63  }
0x46: {  	_ =	swait.ge [sflag:s18], $0x2800  }
0x47: {  	[sflag:s18] =	ssyncset.done $0x0  }
0x48: {  	[sflag:s18] =	ssyncadd.s32 $0xFFFFD800  }
0x49: {  	[spmem:s24], [sflag:s19] =	dma.local [hbm:s5], $0x2800  }
0x4a: {  	_ =	swait.ge [sflag:s18], $0x2800  }
0x4b: {  	[sflag:s18] =	ssyncset.done $0x0  }
0x4c: {  	[sflag:s18] =	ssyncadd.s32 $0xFFFFD800  }
0x4d: {  	s30 =	simm.s32 $0x0;
	[bflag:$0x0] =	sbarrier.arrive $0xFFFF  }
0x4e: {  	[tilespmem:s21], [sflag:$0x1] =	stream.indirect.gather [hbm4b:s4+s20], $0x80, s30, s20, $0xb8;
	[tilespmem:$0x1D000] =	vst v63  }
0x4f: {  	_ =	swait.ge [sflag:s22], $0x3E80  }
0x50: {  	[sflag:s22] =	ssyncset.done $0x0  }
0x51: {  	s31 =	simm.s32 $0x2800;
	[sflag:s22] =	ssyncadd.s32 $0xFFFFC180  }
0x52: {  	[spmem:s2] =	stream.indirect.scatter.add.f32 [tilespmem:s21], [sflag:$0x2], $0x80, s31, s20, $0xb8;
	[tilespmem:$0x1D000] =	vst v63  }
0x53: {  	_ =	swait.ge [sflag:s18], $0x3E80  }
0x54: {  	s26 =	simm.s32 $0x400;
	s25 =	simm.s32 $0x200;
	[sflag:s18] =	ssyncset.done $0x0  }
.LBB2_4:
0x55: {  	s28 =	sshra.s32 s25, $0x2  }
0x56: {  	[sflag:s18] =	ssyncadd.s32 $0xFFFFC180;
	s25 =	smov.u32 s26;
	s29 =	sadd.s32 $0x200, s26  }
0x57: {  	[tilespmem:s21], [sflag:$0x1] =	stream.indirect.gather [hbm4b:s4+s20], $0x80, s28, s20, $0xb8;
	[tilespmem:$0x1D000] =	vst v63  }
0x58: {  	p0 =	sne.s32 s26, $0x9E00;
	_ =	swait.ge [sflag:s22], $0x3E80  }
.Ltmp1:
0x59: {  	[sflag:s22] =	ssyncset.done $0x0;
	(pc) =	sbr.rel @p0 .LBB2_4-.Ltmp1, $4  }
0x5a: {  	s26 =	sadd.s32 $0x2800, s28;
	[sflag:s22] =	ssyncadd.s32 $0xFFFFC180  }
0x5b: {  	[spmem:s2] =	stream.indirect.scatter.add.f32 [tilespmem:s21], [sflag:$0x2], $0x80, s26, s20, $0xb8;
	[tilespmem:$0x1D000] =	vst v63  }
0x5c: {  	_ =	swait.ge [sflag:s18], $0x3E80  }
0x5d: {  	s26 =	smov.u32 s29;
	[sflag:s18] =	ssyncset.done $0x0  }
0x5e: {  	s25 =	sshra.s32 s25, $0x2;
	[sflag:s18] =	ssyncadd.s32 $0xFFFFC180  }
0x5f: {  	[tilespmem:s21], [sflag:$0x1] =	stream.indirect.gather [hbm4b:s4+s20], $0x80, s25, s20, $0xb8;
	[tilespmem:$0x1D000] =	vst v63  }
0x60: {  	_ =	swait.ge [sflag:s22], $0x3E80  }
0x61: {  	[sflag:s22] =	ssyncset.done $0x0  }
0x62: {  	s25 =	sadd.s32 $0x2800, s25;
	[sflag:s22] =	ssyncadd.s32 $0xFFFFC180  }
0x63: {  	[spmem:s2] =	stream.indirect.scatter.add.f32 [tilespmem:s21], [sflag:$0x2], $0x80, s25, s20, $0xb8;
	[tilespmem:$0x1D000] =	vst v63  }
0x64: {  	_ =	swait.ge [sflag:s18], $0x3E80  }
0x65: {  	[sflag:s18] =	ssyncset.done $0x0  }
0x66: {  	[sflag:s18] =	ssyncadd.s32 $0xFFFFC180  }
0x67: {  	[bflag:$0x0] =	sbarrier.arrive $0xFFFF  }
0x68: {  	[hbm:s11], [sflag:s19] =	dma.local [spmem:s24], $0x2800  }
0x69: {  	_ =	swait.ge [sflag:s18], $0x2800  }
0x6a: {  	[sflag:s18] =	ssyncset.done $0x0  }
0x6b: {  	s29 =	simm.s32 $0x0;
	[sflag:s18] =	ssyncadd.s32 $0xFFFFD800  }
0x6c: {  	[tilespmem:s29], [sflag:$0x2] =	stream.linear.gather [hbm4b:s12+s29], $0x2800, $0x38;
	[tilespmem:$0x1D000] =	vst v63  }
0x6d: {  	_ =	swait.ge [sflag:s18], $0x2800  }
0x6e: {  	[sflag:s18] =	ssyncset.done $0x0  }
0x6f: {  	[sflag:s18] =	ssyncadd.s32 $0xFFFFD800  }
0x70: {  	[spmem:s24], [sflag:s19] =	dma.local [hbm:s5], $0x2800  }
0x71: {  	_ =	swait.ge [sflag:s18], $0x2800  }
0x72: {  	[sflag:s18] =	ssyncset.done $0x0  }
0x73: {  	[sflag:s18] =	ssyncadd.s32 $0xFFFFD800  }
0x74: {  	s30 =	simm.s32 $0x0;
	[bflag:$0x0] =	sbarrier.arrive $0xFFFF  }
0x75: {  	[tilespmem:s21], [sflag:$0x1] =	stream.indirect.gather [hbm4b:s4+s20], $0x80, s30, s20, $0xb8;
	[tilespmem:$0x1D000] =	vst v63  }
0x76: {  	_ =	swait.ge [sflag:s22], $0x3E80  }
0x77: {  	[sflag:s22] =	ssyncset.done $0x0  }
0x78: {  	s31 =	simm.s32 $0x2800;
	[sflag:s22] =	ssyncadd.s32 $0xFFFFC180  }
0x79: {  	[spmem:s2] =	stream.indirect.scatter.add.f32 [tilespmem:s21], [sflag:$0x2], $0x80, s31, s20, $0xb8;
	[tilespmem:$0x1D000] =	vst v63  }
0x7a: {  	_ =	swait.ge [sflag:s18], $0x3E80  }
0x7b: {  	s26 =	simm.s32 $0x400;
	s25 =	simm.s32 $0x200;
	[sflag:s18] =	ssyncset.done $0x0  }
.LBB2_6:
0x7c: {  	s28 =	sshra.s32 s25, $0x2  }
0x7d: {  	[sflag:s18] =	ssyncadd.s32 $0xFFFFC180;
	s25 =	smov.u32 s26;
	s29 =	sadd.s32 $0x200, s26  }
0x7e: {  	[tilespmem:s21], [sflag:$0x1] =	stream.indirect.gather [hbm4b:s4+s20], $0x80, s28, s20, $0xb8;
	[tilespmem:$0x1D000] =	vst v63  }
0x7f: {  	p0 =	sne.s32 s26, $0x9E00;
	_ =	swait.ge [sflag:s22], $0x3E80  }
.Ltmp2:
0x80: {  	[sflag:s22] =	ssyncset.done $0x0;
	(pc) =	sbr.rel @p0 .LBB2_6-.Ltmp2, $4  }
0x81: {  	s26 =	sadd.s32 $0x2800, s28;
	[sflag:s22] =	ssyncadd.s32 $0xFFFFC180  }
0x82: {  	[spmem:s2] =	stream.indirect.scatter.add.f32 [tilespmem:s21], [sflag:$0x2], $0x80, s26, s20, $0xb8;
	[tilespmem:$0x1D000] =	vst v63  }
0x83: {  	_ =	swait.ge [sflag:s18], $0x3E80  }
0x84: {  	s26 =	smov.u32 s29;
	[sflag:s18] =	ssyncset.done $0x0  }
0x85: {  	s25 =	sshra.s32 s25, $0x2;
	[sflag:s18] =	ssyncadd.s32 $0xFFFFC180  }
0x86: {  	[tilespmem:s21], [sflag:$0x1] =	stream.indirect.gather [hbm4b:s4+s20], $0x80, s25, s20, $0xb8;
	[tilespmem:$0x1D000] =	vst v63  }
0x87: {  	_ =	swait.ge [sflag:s22], $0x3E80  }
0x88: {  	[sflag:s22] =	ssyncset.done $0x0  }
0x89: {  	s25 =	sadd.s32 $0x2800, s25;
	[sflag:s22] =	ssyncadd.s32 $0xFFFFC180  }
0x8a: {  	[spmem:s2] =	stream.indirect.scatter.add.f32 [tilespmem:s21], [sflag:$0x2], $0x80, s25, s20, $0xb8;
	[tilespmem:$0x1D000] =	vst v63  }
0x8b: {  	_ =	swait.ge [sflag:s18], $0x3E80  }
0x8c: {  	[sflag:s18] =	ssyncset.done $0x0  }
0x8d: {  	[sflag:s18] =	ssyncadd.s32 $0xFFFFC180  }
0x8e: {  	[bflag:$0x0] =	sbarrier.arrive $0xFFFF  }
0x8f: {  	[hbm:s13], [sflag:s19] =	dma.local [spmem:s24], $0x2800  }
0x90: {  	_ =	swait.ge [sflag:s18], $0x2800  }
0x91: {  	[sflag:s18] =	ssyncset.done $0x0  }
0x92: {  	s29 =	simm.s32 $0x0;
	[sflag:s18] =	ssyncadd.s32 $0xFFFFD800  }
0x93: {  	[tilespmem:s29], [sflag:$0x2] =	stream.linear.gather [hbm4b:s14+s29], $0x2800, $0x38;
	[tilespmem:$0x1D000] =	vst v63  }
0x94: {  	_ =	swait.ge [sflag:s18], $0x2800  }
0x95: {  	[sflag:s18] =	ssyncset.done $0x0  }
0x96: {  	[sflag:s18] =	ssyncadd.s32 $0xFFFFD800  }
0x97: {  	[spmem:s24], [sflag:s19] =	dma.local [hbm:s5], $0x2800  }
0x98: {  	_ =	swait.ge [sflag:s18], $0x2800  }
0x99: {  	[sflag:s18] =	ssyncset.done $0x0  }
0x9a: {  	[sflag:s18] =	ssyncadd.s32 $0xFFFFD800  }
0x9b: {  	s30 =	simm.s32 $0x0;
	[bflag:$0x0] =	sbarrier.arrive $0xFFFF  }
0x9c: {  	[tilespmem:s21], [sflag:$0x1] =	stream.indirect.gather [hbm4b:s4+s20], $0x80, s30, s20, $0xb8;
	[tilespmem:$0x1D000] =	vst v63  }
0x9d: {  	_ =	swait.ge [sflag:s22], $0x3E80  }
0x9e: {  	[sflag:s22] =	ssyncset.done $0x0  }
0x9f: {  	s31 =	simm.s32 $0x2800;
	[sflag:s22] =	ssyncadd.s32 $0xFFFFC180  }
0xa0: {  	[spmem:s2] =	stream.indirect.scatter.add.f32 [tilespmem:s21], [sflag:$0x2], $0x80, s31, s20, $0xb8;
	[tilespmem:$0x1D000] =	vst v63  }
0xa1: {  	_ =	swait.ge [sflag:s18], $0x3E80  }
0xa2: {  	s26 =	simm.s32 $0x400;
	s25 =	simm.s32 $0x200;
	[sflag:s18] =	ssyncset.done $0x0  }
.LBB2_8:
0xa3: {  	s28 =	sshra.s32 s25, $0x2  }
0xa4: {  	[sflag:s18] =	ssyncadd.s32 $0xFFFFC180;
	s25 =	smov.u32 s26;
	s29 =	sadd.s32 $0x200, s26  }
0xa5: {  	[tilespmem:s21], [sflag:$0x1] =	stream.indirect.gather [hbm4b:s4+s20], $0x80, s28, s20, $0xb8;
	[tilespmem:$0x1D000] =	vst v63  }
0xa6: {  	p0 =	sne.s32 s26, $0x9E00;
	_ =	swait.ge [sflag:s22], $0x3E80  }
.Ltmp3:
0xa7: {  	[sflag:s22] =	ssyncset.done $0x0;
	(pc) =	sbr.rel @p0 .LBB2_8-.Ltmp3, $4  }
0xa8: {  	s26 =	sadd.s32 $0x2800, s28;
	[sflag:s22] =	ssyncadd.s32 $0xFFFFC180  }
0xa9: {  	[spmem:s2] =	stream.indirect.scatter.add.f32 [tilespmem:s21], [sflag:$0x2], $0x80, s26, s20, $0xb8;
	[tilespmem:$0x1D000] =	vst v63  }
0xaa: {  	_ =	swait.ge [sflag:s18], $0x3E80  }
0xab: {  	s26 =	smov.u32 s29;
	[sflag:s18] =	ssyncset.done $0x0  }
0xac: {  	s25 =	sshra.s32 s25, $0x2;
	[sflag:s18] =	ssyncadd.s32 $0xFFFFC180  }
0xad: {  	[tilespmem:s21], [sflag:$0x1] =	stream.indirect.gather [hbm4b:s4+s20], $0x80, s25, s20, $0xb8;
	[tilespmem:$0x1D000] =	vst v63  }
0xae: {  	_ =	swait.ge [sflag:s22], $0x3E80  }
0xaf: {  	[sflag:s22] =	ssyncset.done $0x0  }
0xb0: {  	s25 =	sadd.s32 $0x2800, s25;
	[sflag:s22] =	ssyncadd.s32 $0xFFFFC180  }
0xb1: {  	[spmem:s2] =	stream.indirect.scatter.add.f32 [tilespmem:s21], [sflag:$0x2], $0x80, s25, s20, $0xb8;
	[tilespmem:$0x1D000] =	vst v63  }
0xb2: {  	_ =	swait.ge [sflag:s18], $0x3E80  }
0xb3: {  	s23 =	sadd.s32 $0x1, s23;
	[sflag:s18] =	ssyncset.done $0x0  }
0xb4: {  	p0 =	sne.s32 s23, s16;
	[sflag:s18] =	ssyncadd.s32 $0xFFFFC180  }
.Ltmp4:
0xb5: {  	[bflag:$0x0] =	sbarrier.arrive $0xFFFF;
	(pc) =	sbr.rel @p0 .LBB2_1-.Ltmp4, $4  }
0xb6: {  	[hbm:s15], [sflag:s19] =	dma.local [spmem:s24], $0x2800  }
0xb7: {  	_ =	swait.ge [sflag:s18], $0x2800  }
0xb8: {  	[sflag:s18] =	ssyncset.done $0x0  }
0xb9: {  	[sflag:s18] =	ssyncadd.s32 $0xFFFFD800  }
0xba: {  	_ =	sfence.sel $0x180000  }
0xbb: {  	[bflag:$0x0] =	sbarrier.arrive $0xFFFF  }
0xbc: {  	p0 =	sne.s32 s1, $0x0;
	_ =	strace $0x9000004A  }
0xbd: {  	s0 =	sadd.s32 @!p0 $0x100000, s0;
	[bflag:$0x2] =	sbarrier.arrive $0xFFFF  }
0xbe: {  	[sflag:s0] =	ssyncadd.tile.s32 @!p0 $0x1;
	_ =	shalt  }
.Lfunc_end2:
_tile_overlayer_lowered:
.L_overlay_start_2:
0xbf: {  	(tag) =	ssettag $0x2  }
0xc0: {  	s0 =	rddreg [dreg:$0x0];
	s2 =	stileid.u32  }
0xc1: {  	s1 =	rddreg [dreg:$0x1];
	p0 =	sne.s32 s2, $0x0  }
0xc2: {  	s3 =	rddreg [dreg:$0x2];
	[bflag:$0x3] =	sbarrier.arrive $0xFFFF;
	s2 =	simm.s32 @!p0 $0x1C02  }
0xc3: {  	[timem:s3], [sflag:s2] =	dma.local @!p0 [hbm:s0], s1  }
0xc4: {  	s0 =	simm.s32 @!p0 $0x2  }
0xc5: {  	_ =	swait.ge @!p0 [sflag:s0], s1  }
0xc6: {  	s1 =	ssub.s32 @!p0 $0x0, s1;
	[sflag:s0] =	ssyncset.done @!p0 $0x0  }
0xc7: {  	[sflag:s0] =	ssyncadd.s32 @!p0 s1  }
0xc8: {  	[bflag:$0x3] =	sbarrier.arrive $0xFFFF  }
0xc9: {  	_ =	shalt  }

</sc_bundles>
